<compile_context>
chip_gen: v7x
topology: tpu7x:2x2x1
jax: 0.10.2.dev20260603
libtpu: 0.0.44.dev20260713+nightly
codegen_flags: <defaults>
</compile_context>

<pallas_src>
import functools

import jax
import jax.numpy as jnp
from jax import lax
from jax.experimental import pallas as pl
from jax.experimental.pallas import tpu as pltpu
from jax.experimental.pallas import tpu_sc as plsc

N_NODES = 10000
N_PAD = 10112
D = 128
NUM_GRAPHS = 64
E_EDGES = 320000
NUM_WORKERS = 32
CHUNK = 128
CHUNKS = 79
E_PAD = NUM_WORKERS * CHUNKS * CHUNK
ROWS_PER_TILE = N_PAD // 16

_HIGH = jax.lax.Precision.HIGHEST


def _sc_mesh():
    return plsc.VectorSubcoreMesh(core_axis_name="c", subcore_axis_name="s")


@functools.partial(
    pl.kernel,
    out_type=jax.ShapeDtypeStruct((2, N_PAD, D), jnp.float32),
    mesh=_sc_mesh(),
    scratch_types=[
        pltpu.VMEM((CHUNKS, CHUNK), jnp.int32),
        pltpu.VMEM((CHUNK, D), jnp.float32),
        pltpu.VMEM_SHARED((N_PAD, D), jnp.float32),
    ],
)
def _deg_sc(dst_hbm, ones_hbm, zeros_hbm, out_hbm, dst_v, ones_v, acc):
    c = lax.axis_index("c")
    s = lax.axis_index("s")
    w = c * 16 + s
    pltpu.sync_copy(dst_hbm.at[w], dst_v)
    pltpu.sync_copy(ones_hbm, ones_v)
    sl = pl.ds(s * ROWS_PER_TILE, ROWS_PER_TILE)
    pltpu.sync_copy(zeros_hbm.at[sl], acc.at[sl])
    plsc.subcore_barrier()

    def body(j, carry):
        pltpu.sync_copy(ones_v, acc.at[dst_v.at[j]], add=True)
        return carry

    lax.fori_loop(0, CHUNKS, body, 0)
    plsc.subcore_barrier()
    pltpu.sync_copy(acc.at[sl], out_hbm.at[c, sl])


@functools.partial(
    pl.kernel,
    out_type=jax.ShapeDtypeStruct((2, N_PAD, D), jnp.float32),
    mesh=_sc_mesh(),
    scratch_types=[
        pltpu.VMEM((CHUNKS, CHUNK), jnp.int32),
        pltpu.VMEM((CHUNKS, CHUNK), jnp.int32),
        pltpu.VMEM((CHUNK, D), jnp.float32),
        pltpu.VMEM_SHARED((N_PAD, D), jnp.float32),
        pltpu.SemaphoreType.DMA,
    ],
)
def _scatter_sc(h_hbm, src_hbm, dst_hbm, out_hbm, src_v, dst_v, rows_v, acc,
                sem):
    c = lax.axis_index("c")
    s = lax.axis_index("s")
    w = c * 16 + s
    pltpu.sync_copy(src_hbm.at[w], src_v)
    pltpu.sync_copy(dst_hbm.at[w], dst_v)
    sl = pl.ds(s * ROWS_PER_TILE, ROWS_PER_TILE)
    pltpu.sync_copy(h_hbm.at[sl], acc.at[sl])
    plsc.subcore_barrier()

    def body(j, carry):
        pltpu.async_copy(h_hbm.at[src_v.at[j]], rows_v, sem).wait()
        pltpu.sync_copy(rows_v, acc.at[dst_v.at[j]], add=True)
        return carry

    lax.fori_loop(0, CHUNKS, body, 0)
    plsc.subcore_barrier()
    pltpu.sync_copy(acc.at[sl], out_hbm.at[c, sl])


def _row_mask():
    rows = lax.broadcasted_iota(jnp.int32, (N_PAD, 1), 0)
    return (rows < N_NODES).astype(jnp.float32)


def _prep_body(x_ref, w_ref, deg_ref, h_ref, dinv_ref):
    dinv = lax.rsqrt(jnp.maximum(deg_ref[0] + deg_ref[1] + 1.0, 1.0))
    h = jnp.dot(x_ref[...], w_ref[...], precision=_HIGH,
                preferred_element_type=jnp.float32)
    h_ref[...] = h * dinv * _row_mask()
    dinv_ref[...] = dinv


def _mid_body(acc_ref, hp_ref, dinv_ref, b_ref, g_ref, be_ref, w_ref, out_ref):
    dinv = dinv_ref[...]
    z = (acc_ref[0] + acc_ref[1] - hp_ref[...]) * dinv + b_ref[...]
    zq = z[:N_NODES]
    m = jnp.mean(zq, axis=0, keepdims=True)
    v = jnp.mean((zq - m) ** 2, axis=0, keepdims=True)
    a = jnp.maximum((zq - m) * lax.rsqrt(v + 1e-5) * g_ref[...] + be_ref[...],
                    0.0)
    h = jnp.dot(a, w_ref[...], precision=_HIGH,
                preferred_element_type=jnp.float32) * dinv[:N_NODES]
    out_ref[pl.ds(0, N_NODES), :] = h
    out_ref[pl.ds(N_NODES, N_PAD - N_NODES), :] = jnp.zeros(
        (N_PAD - N_NODES, D), jnp.float32)


def _final_body(acc_ref, hp_ref, dinv_ref, b_ref, batch_ref, out_ref):
    dinv = dinv_ref[...]
    z = (acc_ref[0] + acc_ref[1] - hp_ref[...]) * dinv + b_ref[...]
    zq = z[:N_NODES]
    gid = lax.broadcasted_iota(jnp.int32, (N_NODES, NUM_GRAPHS), 1)
    onehot = (batch_ref[...] == gid).astype(jnp.float32)
    out_ref[...] = lax.dot_general(
        onehot, zq, (((0,), (0,)), ((), ())), precision=_HIGH,
        preferred_element_type=jnp.float32)


_prep_tc = pl.pallas_call(
    _prep_body, out_shape=[jax.ShapeDtypeStruct((N_PAD, D), jnp.float32),
                           jax.ShapeDtypeStruct((N_PAD, D), jnp.float32)])

_mid_tc = pl.pallas_call(
    _mid_body, out_shape=jax.ShapeDtypeStruct((N_PAD, D), jnp.float32))

_final_tc = pl.pallas_call(
    _final_body, out_shape=jax.ShapeDtypeStruct((NUM_GRAPHS, D), jnp.float32))


def kernel(x, edge_index, batch, W1, b1, g1, be1, W2, b2, g2, be2, W3, b3):
    pad = E_PAD - E_EDGES
    fill = jnp.full((pad,), N_NODES, jnp.int32)
    src3 = jnp.concatenate([edge_index[0], fill]).reshape(
        NUM_WORKERS, CHUNKS, CHUNK)
    dst3 = jnp.concatenate([edge_index[1], fill]).reshape(
        NUM_WORKERS, CHUNKS, CHUNK)
    xp = jnp.concatenate(
        [x, jnp.zeros((N_PAD - N_NODES, D), jnp.float32)], axis=0)
    ones_wide = jnp.ones((CHUNK, D), jnp.float32)
    zeros_wide = jnp.zeros((N_PAD, D), jnp.float32)

    deg = _deg_sc(dst3, ones_wide, zeros_wide)
    h1, dinv = _prep_tc(xp, W1, deg)
    acc1 = _scatter_sc(h1, src3, dst3)
    h2 = _mid_tc(acc1, h1, dinv, b1.reshape(1, D), g1.reshape(1, D),
                 be1.reshape(1, D), W2)
    acc2 = _scatter_sc(h2, src3, dst3)
    h3 = _mid_tc(acc2, h2, dinv, b2.reshape(1, D), g2.reshape(1, D),
                 be2.reshape(1, D), W3)
    acc3 = _scatter_sc(h3, src3, dst3)
    return _final_tc(acc3, h3, dinv, b3.reshape(1, D),
                     batch.reshape(N_NODES, 1))

# --- scband reference (transcript-rebuilt; emitter-appended) ---
"""Pipeline reference for scband-target-graph-encoder-27427661152648 (READ-ONLY COPY).

The authoritative reference and input builder live on the scoring server;
editing this copy changes nothing except your own understanding.
"""

import jax, jax.numpy as jnp
import numpy as np

N = 10000
E = 320000
D = 128
NUM_GRAPHS = 64


def gcn_conv(x, src, dst, W, b):
    # PyG GCNConv: h = D^{-1/2} (A + I) D^{-1/2} X W + b (self loops appended by caller)
    h = x @ W
    n = x.shape[0]
    deg = jnp.zeros((n,), x.dtype).at[dst].add(1.0)
    dinv = jax.lax.rsqrt(jnp.maximum(deg, 1.0))
    coef = dinv[src] * dinv[dst]
    out = jnp.zeros_like(h).at[dst].add(h[src] * coef[:, None])
    return out + b


def batch_norm(x, gamma, beta):
    m = jnp.mean(x, axis=0)
    v = jnp.var(x, axis=0)
    return (x - m) * jax.lax.rsqrt(v + 1e-5) * gamma + beta


def setup_inputs(seed: int = 0):
    key = jax.random.key(seed)
    ks = jax.random.split(key, 8)
    x = jax.random.normal(ks[0], (N, D), dtype=jnp.float32)
    edge_index = jax.random.randint(ks[1], (2, E), 0, N, dtype=jnp.int32)
    batch = jnp.sort(jax.random.randint(ks[2], (N,), 0, NUM_GRAPHS, dtype=jnp.int32))
    s = 1.0 / np.sqrt(D)
    W1 = jax.random.uniform(ks[3], (D, D), jnp.float32, -s, s)
    W2 = jax.random.uniform(ks[4], (D, D), jnp.float32, -s, s)
    W3 = jax.random.uniform(ks[5], (D, D), jnp.float32, -s, s)
    b1 = jnp.zeros((D,), jnp.float32)
    b2 = jnp.zeros((D,), jnp.float32)
    b3 = jnp.zeros((D,), jnp.float32)
    g1 = jnp.ones((D,), jnp.float32)
    be1 = jnp.zeros((D,), jnp.float32)
    g2 = jnp.ones((D,), jnp.float32)
    be2 = jnp.zeros((D,), jnp.float32)
    return {"x": x, "edge_index": edge_index, "batch": batch,
            "W1": W1, "b1": b1, "g1": g1, "be1": be1,
            "W2": W2, "b2": b2, "g2": g2, "be2": be2,
            "W3": W3, "b3": b3}


def reference(x, edge_index, batch, W1, b1, g1, be1, W2, b2, g2, be2, W3, b3):
    n = x.shape[0]
    loop = jnp.arange(n, dtype=edge_index.dtype)
    src = jnp.concatenate([edge_index[0], loop])
    dst = jnp.concatenate([edge_index[1], loop])
    out = gcn_conv(x, src, dst, W1, b1)
    out = jax.nn.relu(batch_norm(out, g1, be1))
    # dropout p=0.0 -> identity
    out = gcn_conv(out, src, dst, W2, b2)
    out = jax.nn.relu(batch_norm(out, g2, be2))
    out = gcn_conv(out, src, dst, W3, b3)
    out = jax.ops.segment_sum(out, batch, num_segments=NUM_GRAPHS)
    return out

if __name__ == "__main__":
    import jax
    _d = setup_inputs()
    print(jax.jit(kernel)(*tuple(_d.values())))

</pallas_src>

<mosaic_0001>
#map = affine_map<(d0, d1) -> (0, 0)>
#map1 = affine_map<(d0, d1) -> (0, 0, 0)>
module attributes {stable_mosaic.version = 14 : i64} {
  func.func @_scatter_sc(%arg0: i32, %arg1: i32, %arg2: memref<10112x128xf32, #tpu.memory_space<hbm>>, %arg3: memref<32x79x128xi32, #tpu.memory_space<hbm>>, %arg4: memref<32x79x128xi32, #tpu.memory_space<hbm>>, %arg5: memref<2x10112x128xf32, #tpu.memory_space<hbm>>, %arg6: memref<79x128xi32, #tpu.memory_space<vmem>>, %arg7: memref<79x128xi32, #tpu.memory_space<vmem>>, %arg8: memref<128x128xf32, #tpu.memory_space<vmem>>, %arg9: memref<10112x128xf32, #tpu.memory_space<vmem_shared>>, %arg10: memref<!tpu.dma_semaphore, #tpu.memory_space<semaphore_mem>>) attributes {dimension_semantics = [#tpu.dimension_semantics<core_parallel>, #tpu.dimension_semantics<subcore_parallel>], iteration_bounds = array<i64: 2, 16>, scalar_prefetch = 0 : i64, scratch_operands = 5 : i64, tpu.core_type = #tpu.core_type<sc_vector_subcore>, window_params = [{transform_indices = #map}, {transform_indices = #map1}, {transform_indices = #map1}, {transform_indices = #map1}]} {
    %mul3A = arith.constant 16 : i32
    %mul3A_0 = arith.muli %arg0, %mul3A : i32
    %add3A = arith.addi %mul3A_0, %arg1 : i32
    "tpu.region"() ({
      %run_scoped3A = tpu.sem_alloc : memref<!tpu.dma_semaphore, #tpu.memory_space<semaphore_mem>>
      %dma_start3A = arith.constant 0 : i32
      %dma_start3A_9 = arith.constant 0 : i32
      %dma_start3A_10 = tpu.memref_slice %arg3[%add3A, %dma_start3A, %dma_start3A_9] : memref<32x79x128xi32, #tpu.memory_space<hbm>> -> memref<1x79x128xi32, #tpu.memory_space<hbm>>
      %dma_start3A_11 = tpu.memref_squeeze %dma_start3A_10 : memref<1x79x128xi32, #tpu.memory_space<hbm>> -> memref<79x128xi32, #tpu.memory_space<hbm>>
      %dma_start3A_12 = arith.constant 0 : i32
      %dma_start3A_13 = arith.constant 0 : i32
      %dma_start3A_14 = tpu.memref_slice %arg3[%add3A, %dma_start3A_12, %dma_start3A_13] : memref<32x79x128xi32, #tpu.memory_space<hbm>> -> memref<1x79x128xi32, #tpu.memory_space<hbm>>
      %dma_start3A_15 = tpu.memref_squeeze %dma_start3A_14 : memref<1x79x128xi32, #tpu.memory_space<hbm>> -> memref<79x128xi32, #tpu.memory_space<hbm>>
      tpu.enqueue_dma source(%dma_start3A_15 : memref<79x128xi32, #tpu.memory_space<hbm>>) target(%arg6 : memref<79x128xi32, #tpu.memory_space<vmem>>) target_semaphore(%run_scoped3A : memref<!tpu.dma_semaphore, #tpu.memory_space<semaphore_mem>>)
      %dma_wait3A = arith.constant 0 : i32
      %dma_wait3A_16 = arith.constant 0 : i32
      %dma_wait3A_17 = tpu.memref_slice %arg3[%add3A, %dma_wait3A, %dma_wait3A_16] : memref<32x79x128xi32, #tpu.memory_space<hbm>> -> memref<1x79x128xi32, #tpu.memory_space<hbm>>
      %dma_wait3A_18 = tpu.memref_squeeze %dma_wait3A_17 : memref<1x79x128xi32, #tpu.memory_space<hbm>> -> memref<79x128xi32, #tpu.memory_space<hbm>>
      %dma_wait3A_19 = arith.constant 0 : i32
      %dma_wait3A_20 = arith.constant 0 : i32
      %dma_wait3A_21 = tpu.memref_slice %arg3[%add3A, %dma_wait3A_19, %dma_wait3A_20] : memref<32x79x128xi32, #tpu.memory_space<hbm>> -> memref<1x79x128xi32, #tpu.memory_space<hbm>>
      %dma_wait3A_22 = tpu.memref_squeeze %dma_wait3A_21 : memref<1x79x128xi32, #tpu.memory_space<hbm>> -> memref<79x128xi32, #tpu.memory_space<hbm>>
      tpu.wait_dma2 semaphore(%run_scoped3A : memref<!tpu.dma_semaphore, #tpu.memory_space<semaphore_mem>>) src(%dma_wait3A_22 : memref<79x128xi32, #tpu.memory_space<hbm>>) dst(%arg6 : memref<79x128xi32, #tpu.memory_space<vmem>>)
      tpu.yield
    }) : () -> ()
    "tpu.region"() ({
      %run_scoped3A = tpu.sem_alloc : memref<!tpu.dma_semaphore, #tpu.memory_space<semaphore_mem>>
      %dma_start3A = arith.constant 0 : i32
      %dma_start3A_9 = arith.constant 0 : i32
      %dma_start3A_10 = tpu.memref_slice %arg4[%add3A, %dma_start3A, %dma_start3A_9] : memref<32x79x128xi32, #tpu.memory_space<hbm>> -> memref<1x79x128xi32, #tpu.memory_space<hbm>>
      %dma_start3A_11 = tpu.memref_squeeze %dma_start3A_10 : memref<1x79x128xi32, #tpu.memory_space<hbm>> -> memref<79x128xi32, #tpu.memory_space<hbm>>
      %dma_start3A_12 = arith.constant 0 : i32
      %dma_start3A_13 = arith.constant 0 : i32
      %dma_start3A_14 = tpu.memref_slice %arg4[%add3A, %dma_start3A_12, %dma_start3A_13] : memref<32x79x128xi32, #tpu.memory_space<hbm>> -> memref<1x79x128xi32, #tpu.memory_space<hbm>>
      %dma_start3A_15 = tpu.memref_squeeze %dma_start3A_14 : memref<1x79x128xi32, #tpu.memory_space<hbm>> -> memref<79x128xi32, #tpu.memory_space<hbm>>
      tpu.enqueue_dma source(%dma_start3A_15 : memref<79x128xi32, #tpu.memory_space<hbm>>) target(%arg7 : memref<79x128xi32, #tpu.memory_space<vmem>>) target_semaphore(%run_scoped3A : memref<!tpu.dma_semaphore, #tpu.memory_space<semaphore_mem>>)
      %dma_wait3A = arith.constant 0 : i32
      %dma_wait3A_16 = arith.constant 0 : i32
      %dma_wait3A_17 = tpu.memref_slice %arg4[%add3A, %dma_wait3A, %dma_wait3A_16] : memref<32x79x128xi32, #tpu.memory_space<hbm>> -> memref<1x79x128xi32, #tpu.memory_space<hbm>>
      %dma_wait3A_18 = tpu.memref_squeeze %dma_wait3A_17 : memref<1x79x128xi32, #tpu.memory_space<hbm>> -> memref<79x128xi32, #tpu.memory_space<hbm>>
      %dma_wait3A_19 = arith.constant 0 : i32
      %dma_wait3A_20 = arith.constant 0 : i32
      %dma_wait3A_21 = tpu.memref_slice %arg4[%add3A, %dma_wait3A_19, %dma_wait3A_20] : memref<32x79x128xi32, #tpu.memory_space<hbm>> -> memref<1x79x128xi32, #tpu.memory_space<hbm>>
      %dma_wait3A_22 = tpu.memref_squeeze %dma_wait3A_21 : memref<1x79x128xi32, #tpu.memory_space<hbm>> -> memref<79x128xi32, #tpu.memory_space<hbm>>
      tpu.wait_dma2 semaphore(%run_scoped3A : memref<!tpu.dma_semaphore, #tpu.memory_space<semaphore_mem>>) src(%dma_wait3A_22 : memref<79x128xi32, #tpu.memory_space<hbm>>) dst(%arg7 : memref<79x128xi32, #tpu.memory_space<vmem>>)
      tpu.yield
    }) : () -> ()
    %mul3A_1 = arith.constant 632 : i32
    %mul3A_2 = arith.muli %arg1, %mul3A_1 : i32
    "tpu.region"() ({
      %run_scoped3A = tpu.sem_alloc : memref<!tpu.dma_semaphore, #tpu.memory_space<semaphore_mem>>
      %dma_start3A = arith.constant 0 : i32
      %dma_start3A_9 = tpu.memref_slice %arg9[%mul3A_2, %dma_start3A] : memref<10112x128xf32, #tpu.memory_space<vmem_shared>> -> memref<632x128xf32, #tpu.memory_space<vmem_shared>>
      %dma_start3A_10 = arith.constant 0 : i32
      %dma_start3A_11 = tpu.memref_slice %arg2[%mul3A_2, %dma_start3A_10] : memref<10112x128xf32, #tpu.memory_space<hbm>> -> memref<632x128xf32, #tpu.memory_space<hbm>>
      tpu.enqueue_dma source(%dma_start3A_11 : memref<632x128xf32, #tpu.memory_space<hbm>>) target(%dma_start3A_9 : memref<632x128xf32, #tpu.memory_space<vmem_shared>>) target_semaphore(%run_scoped3A : memref<!tpu.dma_semaphore, #tpu.memory_space<semaphore_mem>>)
      %dma_wait3A = arith.constant 0 : i32
      %dma_wait3A_12 = tpu.memref_slice %arg9[%mul3A_2, %dma_wait3A] : memref<10112x128xf32, #tpu.memory_space<vmem_shared>> -> memref<632x128xf32, #tpu.memory_space<vmem_shared>>
      %dma_wait3A_13 = arith.constant 0 : i32
      %dma_wait3A_14 = tpu.memref_slice %arg2[%mul3A_2, %dma_wait3A_13] : memref<10112x128xf32, #tpu.memory_space<hbm>> -> memref<632x128xf32, #tpu.memory_space<hbm>>
      tpu.wait_dma2 semaphore(%run_scoped3A : memref<!tpu.dma_semaphore, #tpu.memory_space<semaphore_mem>>) src(%dma_wait3A_14 : memref<632x128xf32, #tpu.memory_space<hbm>>) dst(%dma_wait3A_12 : memref<632x128xf32, #tpu.memory_space<vmem_shared>>)
      tpu.yield
    }) : () -> ()
    %barrier3A = arith.constant 0 : index
    tpu.barrier barrier_id(%barrier3A)
    %scan3A = arith.constant 0 : i32
    %scan3A_3 = arith.constant 0 : i32
    %scan3A_4 = arith.constant 79 : i32
    %scan3A_5 = arith.addi %scan3A_3, %scan3A_4 : i32
    %scan3A_6 = arith.constant 1 : i32
    scf.for %scan3A_9 = %scan3A_3 to %scan3A_5 step %scan3A_6  : i32 {
      %dma_start3A = arith.constant 0 : i32
      %dma_start3A_10 = tpu.memref_slice %arg6[%scan3A_9, %dma_start3A] : memref<79x128xi32, #tpu.memory_space<vmem>> -> memref<1x128xi32, #tpu.memory_space<vmem>>
      %dma_start3A_11 = tpu.memref_squeeze %dma_start3A_10 : memref<1x128xi32, #tpu.memory_space<vmem>> -> memref<128xi32, #tpu.memory_space<vmem>>
      %dma_start3A_12 = arith.constant 0 : i32
      %dma_start3A_13 = arith.constant 0 : i32
      %dma_start3A_14 = tpu.memref_slice %arg2[%dma_start3A_12, %dma_start3A_13] : memref<10112x128xf32, #tpu.memory_space<hbm>> -> memref<10112x128xf32, #tpu.memory_space<hbm>>
      tpu.enqueue_indirect_dma source(%dma_start3A_14 : memref<10112x128xf32, #tpu.memory_space<hbm>>) target(%arg8 : memref<128x128xf32, #tpu.memory_space<vmem>>) offsets(%dma_start3A_11 : memref<128xi32, #tpu.memory_space<vmem>>) semaphore(%arg10 : memref<!tpu.dma_semaphore, #tpu.memory_space<semaphore_mem>>)
      %dma_wait3A = arith.constant 0 : i32
      %dma_wait3A_15 = tpu.memref_slice %arg6[%scan3A_9, %dma_wait3A] : memref<79x128xi32, #tpu.memory_space<vmem>> -> memref<1x128xi32, #tpu.memory_space<vmem>>
      %dma_wait3A_16 = tpu.memref_squeeze %dma_wait3A_15 : memref<1x128xi32, #tpu.memory_space<vmem>> -> memref<128xi32, #tpu.memory_space<vmem>>
      %dma_wait3A_17 = arith.constant 0 : i32
      %dma_wait3A_18 = arith.constant 0 : i32
      %dma_wait3A_19 = tpu.memref_slice %arg2[%dma_wait3A_17, %dma_wait3A_18] : memref<10112x128xf32, #tpu.memory_space<hbm>> -> memref<10112x128xf32, #tpu.memory_space<hbm>>
      tpu.wait_indirect_dma semaphore(%arg10 : memref<!tpu.dma_semaphore, #tpu.memory_space<semaphore_mem>>) src(%dma_wait3A_19 : memref<10112x128xf32, #tpu.memory_space<hbm>>) dst(%arg8 : memref<128x128xf32, #tpu.memory_space<vmem>>)
      "tpu.region"() ({
        %run_scoped3A = tpu.sem_alloc : memref<!tpu.dma_semaphore, #tpu.memory_space<semaphore_mem>>
        %dma_start3A_20 = arith.constant 0 : i32
        %dma_start3A_21 = tpu.memref_slice %arg7[%scan3A_9, %dma_start3A_20] : memref<79x128xi32, #tpu.memory_space<vmem>> -> memref<1x128xi32, #tpu.memory_space<vmem>>
        %dma_start3A_22 = tpu.memref_squeeze %dma_start3A_21 : memref<1x128xi32, #tpu.memory_space<vmem>> -> memref<128xi32, #tpu.memory_space<vmem>>
        %dma_start3A_23 = arith.constant 0 : i32
        %dma_start3A_24 = arith.constant 0 : i32
        %dma_start3A_25 = tpu.memref_slice %arg9[%dma_start3A_23, %dma_start3A_24] : memref<10112x128xf32, #tpu.memory_space<vmem_shared>> -> memref<10112x128xf32, #tpu.memory_space<vmem_shared>>
        tpu.enqueue_indirect_dma source(%arg8 : memref<128x128xf32, #tpu.memory_space<vmem>>) target(%dma_start3A_25 : memref<10112x128xf32, #tpu.memory_space<vmem_shared>>) offsets(%dma_start3A_22 : memref<128xi32, #tpu.memory_space<vmem>>) semaphore(%run_scoped3A : memref<!tpu.dma_semaphore, #tpu.memory_space<semaphore_mem>>) {add = true}
        %dma_wait3A_26 = arith.constant 0 : i32
        %dma_wait3A_27 = tpu.memref_slice %arg7[%scan3A_9, %dma_wait3A_26] : memref<79x128xi32, #tpu.memory_space<vmem>> -> memref<1x128xi32, #tpu.memory_space<vmem>>
        %dma_wait3A_28 = tpu.memref_squeeze %dma_wait3A_27 : memref<1x128xi32, #tpu.memory_space<vmem>> -> memref<128xi32, #tpu.memory_space<vmem>>
        %dma_wait3A_29 = arith.constant 0 : i32
        %dma_wait3A_30 = arith.constant 0 : i32
        %dma_wait3A_31 = tpu.memref_slice %arg9[%dma_wait3A_29, %dma_wait3A_30] : memref<10112x128xf32, #tpu.memory_space<vmem_shared>> -> memref<10112x128xf32, #tpu.memory_space<vmem_shared>>
        tpu.wait_indirect_dma semaphore(%run_scoped3A : memref<!tpu.dma_semaphore, #tpu.memory_space<semaphore_mem>>) src(%arg8 : memref<128x128xf32, #tpu.memory_space<vmem>>) dst(%dma_wait3A_31 : memref<10112x128xf32, #tpu.memory_space<vmem_shared>>)
        tpu.yield
      }) : () -> ()
    }
    %scan3A_7 = arith.constant 79 : i32
    %barrier3A_8 = arith.constant 0 : index
    tpu.barrier barrier_id(%barrier3A_8)
    "tpu.region"() ({
      %run_scoped3A = tpu.sem_alloc : memref<!tpu.dma_semaphore, #tpu.memory_space<semaphore_mem>>
      %dma_start3A = arith.constant 0 : i32
      %dma_start3A_9 = tpu.memref_slice %arg5[%arg0, %mul3A_2, %dma_start3A] : memref<2x10112x128xf32, #tpu.memory_space<hbm>> -> memref<1x632x128xf32, #tpu.memory_space<hbm>>
      %dma_start3A_10 = tpu.memref_squeeze %dma_start3A_9 : memref<1x632x128xf32, #tpu.memory_space<hbm>> -> memref<632x128xf32, #tpu.memory_space<hbm>>
      %dma_start3A_11 = arith.constant 0 : i32
      %dma_start3A_12 = tpu.memref_slice %arg9[%mul3A_2, %dma_start3A_11] : memref<10112x128xf32, #tpu.memory_space<vmem_shared>> -> memref<632x128xf32, #tpu.memory_space<vmem_shared>>
      tpu.enqueue_dma source(%dma_start3A_12 : memref<632x128xf32, #tpu.memory_space<vmem_shared>>) target(%dma_start3A_10 : memref<632x128xf32, #tpu.memory_space<hbm>>) target_semaphore(%run_scoped3A : memref<!tpu.dma_semaphore, #tpu.memory_space<semaphore_mem>>)
      %dma_wait3A = arith.constant 0 : i32
      %dma_wait3A_13 = tpu.memref_slice %arg5[%arg0, %mul3A_2, %dma_wait3A] : memref<2x10112x128xf32, #tpu.memory_space<hbm>> -> memref<1x632x128xf32, #tpu.memory_space<hbm>>
      %dma_wait3A_14 = tpu.memref_squeeze %dma_wait3A_13 : memref<1x632x128xf32, #tpu.memory_space<hbm>> -> memref<632x128xf32, #tpu.memory_space<hbm>>
      %dma_wait3A_15 = arith.constant 0 : i32
      %dma_wait3A_16 = tpu.memref_slice %arg9[%mul3A_2, %dma_wait3A_15] : memref<10112x128xf32, #tpu.memory_space<vmem_shared>> -> memref<632x128xf32, #tpu.memory_space<vmem_shared>>
      tpu.wait_dma2 semaphore(%run_scoped3A : memref<!tpu.dma_semaphore, #tpu.memory_space<semaphore_mem>>) src(%dma_wait3A_16 : memref<632x128xf32, #tpu.memory_space<vmem_shared>>) dst(%dma_wait3A_14 : memref<632x128xf32, #tpu.memory_space<hbm>>)
      tpu.yield
    }) : () -> ()
    return
  }
}

#map = affine_map<(d0, d1) -> (0, 0, 0)>
#map1 = affine_map<(d0, d1) -> (0, 0)>
module attributes {stable_mosaic.version = 14 : i64} {
  func.func @_deg_sc(%arg0: i32, %arg1: i32, %arg2: memref<32x79x128xi32, #tpu.memory_space<hbm>>, %arg3: memref<128x128xf32, #tpu.memory_space<hbm>>, %arg4: memref<10112x128xf32, #tpu.memory_space<hbm>>, %arg5: memref<2x10112x128xf32, #tpu.memory_space<hbm>>, %arg6: memref<79x128xi32, #tpu.memory_space<vmem>>, %arg7: memref<128x128xf32, #tpu.memory_space<vmem>>, %arg8: memref<10112x128xf32, #tpu.memory_space<vmem_shared>>) attributes {dimension_semantics = [#tpu.dimension_semantics<core_parallel>, #tpu.dimension_semantics<subcore_parallel>], iteration_bounds = array<i64: 2, 16>, scalar_prefetch = 0 : i64, scratch_operands = 3 : i64, tpu.core_type = #tpu.core_type<sc_vector_subcore>, window_params = [{transform_indices = #map}, {transform_indices = #map1}, {transform_indices = #map1}, {transform_indices = #map}]} {
    %mul3A = arith.constant 16 : i32
    %mul3A_0 = arith.muli %arg0, %mul3A : i32
    %add3A = arith.addi %mul3A_0, %arg1 : i32
    "tpu.region"() ({
      %run_scoped3A = tpu.sem_alloc : memref<!tpu.dma_semaphore, #tpu.memory_space<semaphore_mem>>
      %dma_start3A = arith.constant 0 : i32
      %dma_start3A_9 = arith.constant 0 : i32
      %dma_start3A_10 = tpu.memref_slice %arg2[%add3A, %dma_start3A, %dma_start3A_9] : memref<32x79x128xi32, #tpu.memory_space<hbm>> -> memref<1x79x128xi32, #tpu.memory_space<hbm>>
      %dma_start3A_11 = tpu.memref_squeeze %dma_start3A_10 : memref<1x79x128xi32, #tpu.memory_space<hbm>> -> memref<79x128xi32, #tpu.memory_space<hbm>>
      %dma_start3A_12 = arith.constant 0 : i32
      %dma_start3A_13 = arith.constant 0 : i32
      %dma_start3A_14 = tpu.memref_slice %arg2[%add3A, %dma_start3A_12, %dma_start3A_13] : memref<32x79x128xi32, #tpu.memory_space<hbm>> -> memref<1x79x128xi32, #tpu.memory_space<hbm>>
      %dma_start3A_15 = tpu.memref_squeeze %dma_start3A_14 : memref<1x79x128xi32, #tpu.memory_space<hbm>> -> memref<79x128xi32, #tpu.memory_space<hbm>>
      tpu.enqueue_dma source(%dma_start3A_15 : memref<79x128xi32, #tpu.memory_space<hbm>>) target(%arg6 : memref<79x128xi32, #tpu.memory_space<vmem>>) target_semaphore(%run_scoped3A : memref<!tpu.dma_semaphore, #tpu.memory_space<semaphore_mem>>)
      %dma_wait3A = arith.constant 0 : i32
      %dma_wait3A_16 = arith.constant 0 : i32
      %dma_wait3A_17 = tpu.memref_slice %arg2[%add3A, %dma_wait3A, %dma_wait3A_16] : memref<32x79x128xi32, #tpu.memory_space<hbm>> -> memref<1x79x128xi32, #tpu.memory_space<hbm>>
      %dma_wait3A_18 = tpu.memref_squeeze %dma_wait3A_17 : memref<1x79x128xi32, #tpu.memory_space<hbm>> -> memref<79x128xi32, #tpu.memory_space<hbm>>
      %dma_wait3A_19 = arith.constant 0 : i32
      %dma_wait3A_20 = arith.constant 0 : i32
      %dma_wait3A_21 = tpu.memref_slice %arg2[%add3A, %dma_wait3A_19, %dma_wait3A_20] : memref<32x79x128xi32, #tpu.memory_space<hbm>> -> memref<1x79x128xi32, #tpu.memory_space<hbm>>
      %dma_wait3A_22 = tpu.memref_squeeze %dma_wait3A_21 : memref<1x79x128xi32, #tpu.memory_space<hbm>> -> memref<79x128xi32, #tpu.memory_space<hbm>>
      tpu.wait_dma2 semaphore(%run_scoped3A : memref<!tpu.dma_semaphore, #tpu.memory_space<semaphore_mem>>) src(%dma_wait3A_22 : memref<79x128xi32, #tpu.memory_space<hbm>>) dst(%arg6 : memref<79x128xi32, #tpu.memory_space<vmem>>)
      tpu.yield
    }) : () -> ()
    "tpu.region"() ({
      %run_scoped3A = tpu.sem_alloc : memref<!tpu.dma_semaphore, #tpu.memory_space<semaphore_mem>>
      tpu.enqueue_dma source(%arg3 : memref<128x128xf32, #tpu.memory_space<hbm>>) target(%arg7 : memref<128x128xf32, #tpu.memory_space<vmem>>) target_semaphore(%run_scoped3A : memref<!tpu.dma_semaphore, #tpu.memory_space<semaphore_mem>>)
      tpu.wait_dma2 semaphore(%run_scoped3A : memref<!tpu.dma_semaphore, #tpu.memory_space<semaphore_mem>>) src(%arg3 : memref<128x128xf32, #tpu.memory_space<hbm>>) dst(%arg7 : memref<128x128xf32, #tpu.memory_space<vmem>>)
      tpu.yield
    }) : () -> ()
    %mul3A_1 = arith.constant 632 : i32
    %mul3A_2 = arith.muli %arg1, %mul3A_1 : i32
    "tpu.region"() ({
      %run_scoped3A = tpu.sem_alloc : memref<!tpu.dma_semaphore, #tpu.memory_space<semaphore_mem>>
      %dma_start3A = arith.constant 0 : i32
      %dma_start3A_9 = tpu.memref_slice %arg8[%mul3A_2, %dma_start3A] : memref<10112x128xf32, #tpu.memory_space<vmem_shared>> -> memref<632x128xf32, #tpu.memory_space<vmem_shared>>
      %dma_start3A_10 = arith.constant 0 : i32
      %dma_start3A_11 = tpu.memref_slice %arg4[%mul3A_2, %dma_start3A_10] : memref<10112x128xf32, #tpu.memory_space<hbm>> -> memref<632x128xf32, #tpu.memory_space<hbm>>
      tpu.enqueue_dma source(%dma_start3A_11 : memref<632x128xf32, #tpu.memory_space<hbm>>) target(%dma_start3A_9 : memref<632x128xf32, #tpu.memory_space<vmem_shared>>) target_semaphore(%run_scoped3A : memref<!tpu.dma_semaphore, #tpu.memory_space<semaphore_mem>>)
      %dma_wait3A = arith.constant 0 : i32
      %dma_wait3A_12 = tpu.memref_slice %arg8[%mul3A_2, %dma_wait3A] : memref<10112x128xf32, #tpu.memory_space<vmem_shared>> -> memref<632x128xf32, #tpu.memory_space<vmem_shared>>
      %dma_wait3A_13 = arith.constant 0 : i32
      %dma_wait3A_14 = tpu.memref_slice %arg4[%mul3A_2, %dma_wait3A_13] : memref<10112x128xf32, #tpu.memory_space<hbm>> -> memref<632x128xf32, #tpu.memory_space<hbm>>
      tpu.wait_dma2 semaphore(%run_scoped3A : memref<!tpu.dma_semaphore, #tpu.memory_space<semaphore_mem>>) src(%dma_wait3A_14 : memref<632x128xf32, #tpu.memory_space<hbm>>) dst(%dma_wait3A_12 : memref<632x128xf32, #tpu.memory_space<vmem_shared>>)
      tpu.yield
    }) : () -> ()
    %barrier3A = arith.constant 0 : index
    tpu.barrier barrier_id(%barrier3A)
    %scan3A = arith.constant 0 : i32
    %scan3A_3 = arith.constant 0 : i32
    %scan3A_4 = arith.constant 79 : i32
    %scan3A_5 = arith.addi %scan3A_3, %scan3A_4 : i32
    %scan3A_6 = arith.constant 1 : i32
    scf.for %scan3A_9 = %scan3A_3 to %scan3A_5 step %scan3A_6  : i32 {
      "tpu.region"() ({
        %run_scoped3A = tpu.sem_alloc : memref<!tpu.dma_semaphore, #tpu.memory_space<semaphore_mem>>
        %dma_start3A = arith.constant 0 : i32
        %dma_start3A_10 = tpu.memref_slice %arg6[%scan3A_9, %dma_start3A] : memref<79x128xi32, #tpu.memory_space<vmem>> -> memref<1x128xi32, #tpu.memory_space<vmem>>
        %dma_start3A_11 = tpu.memref_squeeze %dma_start3A_10 : memref<1x128xi32, #tpu.memory_space<vmem>> -> memref<128xi32, #tpu.memory_space<vmem>>
        %dma_start3A_12 = arith.constant 0 : i32
        %dma_start3A_13 = arith.constant 0 : i32
        %dma_start3A_14 = tpu.memref_slice %arg8[%dma_start3A_12, %dma_start3A_13] : memref<10112x128xf32, #tpu.memory_space<vmem_shared>> -> memref<10112x128xf32, #tpu.memory_space<vmem_shared>>
        tpu.enqueue_indirect_dma source(%arg7 : memref<128x128xf32, #tpu.memory_space<vmem>>) target(%dma_start3A_14 : memref<10112x128xf32, #tpu.memory_space<vmem_shared>>) offsets(%dma_start3A_11 : memref<128xi32, #tpu.memory_space<vmem>>) semaphore(%run_scoped3A : memref<!tpu.dma_semaphore, #tpu.memory_space<semaphore_mem>>) {add = true}
        %dma_wait3A = arith.constant 0 : i32
        %dma_wait3A_15 = tpu.memref_slice %arg6[%scan3A_9, %dma_wait3A] : memref<79x128xi32, #tpu.memory_space<vmem>> -> memref<1x128xi32, #tpu.memory_space<vmem>>
        %dma_wait3A_16 = tpu.memref_squeeze %dma_wait3A_15 : memref<1x128xi32, #tpu.memory_space<vmem>> -> memref<128xi32, #tpu.memory_space<vmem>>
        %dma_wait3A_17 = arith.constant 0 : i32
        %dma_wait3A_18 = arith.constant 0 : i32
        %dma_wait3A_19 = tpu.memref_slice %arg8[%dma_wait3A_17, %dma_wait3A_18] : memref<10112x128xf32, #tpu.memory_space<vmem_shared>> -> memref<10112x128xf32, #tpu.memory_space<vmem_shared>>
        tpu.wait_indirect_dma semaphore(%run_scoped3A : memref<!tpu.dma_semaphore, #tpu.memory_space<semaphore_mem>>) src(%arg7 : memref<128x128xf32, #tpu.memory_space<vmem>>) dst(%dma_wait3A_19 : memref<10112x128xf32, #tpu.memory_space<vmem_shared>>)
        tpu.yield
      }) : () -> ()
    }
    %scan3A_7 = arith.constant 79 : i32
    %barrier3A_8 = arith.constant 0 : index
    tpu.barrier barrier_id(%barrier3A_8)
    "tpu.region"() ({
      %run_scoped3A = tpu.sem_alloc : memref<!tpu.dma_semaphore, #tpu.memory_space<semaphore_mem>>
      %dma_start3A = arith.constant 0 : i32
      %dma_start3A_9 = tpu.memref_slice %arg5[%arg0, %mul3A_2, %dma_start3A] : memref<2x10112x128xf32, #tpu.memory_space<hbm>> -> memref<1x632x128xf32, #tpu.memory_space<hbm>>
      %dma_start3A_10 = tpu.memref_squeeze %dma_start3A_9 : memref<1x632x128xf32, #tpu.memory_space<hbm>> -> memref<632x128xf32, #tpu.memory_space<hbm>>
      %dma_start3A_11 = arith.constant 0 : i32
      %dma_start3A_12 = tpu.memref_slice %arg8[%mul3A_2, %dma_start3A_11] : memref<10112x128xf32, #tpu.memory_space<vmem_shared>> -> memref<632x128xf32, #tpu.memory_space<vmem_shared>>
      tpu.enqueue_dma source(%dma_start3A_12 : memref<632x128xf32, #tpu.memory_space<vmem_shared>>) target(%dma_start3A_10 : memref<632x128xf32, #tpu.memory_space<hbm>>) target_semaphore(%run_scoped3A : memref<!tpu.dma_semaphore, #tpu.memory_space<semaphore_mem>>)
      %dma_wait3A = arith.constant 0 : i32
      %dma_wait3A_13 = tpu.memref_slice %arg5[%arg0, %mul3A_2, %dma_wait3A] : memref<2x10112x128xf32, #tpu.memory_space<hbm>> -> memref<1x632x128xf32, #tpu.memory_space<hbm>>
      %dma_wait3A_14 = tpu.memref_squeeze %dma_wait3A_13 : memref<1x632x128xf32, #tpu.memory_space<hbm>> -> memref<632x128xf32, #tpu.memory_space<hbm>>
      %dma_wait3A_15 = arith.constant 0 : i32
      %dma_wait3A_16 = tpu.memref_slice %arg8[%mul3A_2, %dma_wait3A_15] : memref<10112x128xf32, #tpu.memory_space<vmem_shared>> -> memref<632x128xf32, #tpu.memory_space<vmem_shared>>
      tpu.wait_dma2 semaphore(%run_scoped3A : memref<!tpu.dma_semaphore, #tpu.memory_space<semaphore_mem>>) src(%dma_wait3A_16 : memref<632x128xf32, #tpu.memory_space<vmem_shared>>) dst(%dma_wait3A_14 : memref<632x128xf32, #tpu.memory_space<hbm>>)
      tpu.yield
    }) : () -> ()
    return
  }
}

#map = affine_map<(d0, d1) -> (0, 0)>
#map1 = affine_map<(d0, d1) -> (0, 0, 0)>
module attributes {stable_mosaic.version = 14 : i64} {
  func.func @_scatter_sc(%arg0: i32, %arg1: i32, %arg2: memref<10112x128xf32, #tpu.memory_space<hbm>>, %arg3: memref<32x79x128xi32, #tpu.memory_space<hbm>>, %arg4: memref<32x79x128xi32, #tpu.memory_space<hbm>>, %arg5: memref<2x10112x128xf32, #tpu.memory_space<hbm>>, %arg6: memref<79x128xi32, #tpu.memory_space<vmem>>, %arg7: memref<79x128xi32, #tpu.memory_space<vmem>>, %arg8: memref<128x128xf32, #tpu.memory_space<vmem>>, %arg9: memref<10112x128xf32, #tpu.memory_space<vmem_shared>>, %arg10: memref<!tpu.dma_semaphore, #tpu.memory_space<semaphore_mem>>) attributes {dimension_semantics = [#tpu.dimension_semantics<core_parallel>, #tpu.dimension_semantics<subcore_parallel>], iteration_bounds = array<i64: 2, 16>, scalar_prefetch = 0 : i64, scratch_operands = 5 : i64, tpu.core_type = #tpu.core_type<sc_vector_subcore>, window_params = [{transform_indices = #map}, {transform_indices = #map1}, {transform_indices = #map1}, {transform_indices = #map1}]} {
    %mul3A = arith.constant 16 : i32
    %mul3A_0 = arith.muli %arg0, %mul3A : i32
    %add3A = arith.addi %mul3A_0, %arg1 : i32
    "tpu.region"() ({
      %run_scoped3A = tpu.sem_alloc : memref<!tpu.dma_semaphore, #tpu.memory_space<semaphore_mem>>
      %dma_start3A = arith.constant 0 : i32
      %dma_start3A_9 = arith.constant 0 : i32
      %dma_start3A_10 = tpu.memref_slice %arg3[%add3A, %dma_start3A, %dma_start3A_9] : memref<32x79x128xi32, #tpu.memory_space<hbm>> -> memref<1x79x128xi32, #tpu.memory_space<hbm>>
      %dma_start3A_11 = tpu.memref_squeeze %dma_start3A_10 : memref<1x79x128xi32, #tpu.memory_space<hbm>> -> memref<79x128xi32, #tpu.memory_space<hbm>>
      %dma_start3A_12 = arith.constant 0 : i32
      %dma_start3A_13 = arith.constant 0 : i32
      %dma_start3A_14 = tpu.memref_slice %arg3[%add3A, %dma_start3A_12, %dma_start3A_13] : memref<32x79x128xi32, #tpu.memory_space<hbm>> -> memref<1x79x128xi32, #tpu.memory_space<hbm>>
      %dma_start3A_15 = tpu.memref_squeeze %dma_start3A_14 : memref<1x79x128xi32, #tpu.memory_space<hbm>> -> memref<79x128xi32, #tpu.memory_space<hbm>>
      tpu.enqueue_dma source(%dma_start3A_15 : memref<79x128xi32, #tpu.memory_space<hbm>>) target(%arg6 : memref<79x128xi32, #tpu.memory_space<vmem>>) target_semaphore(%run_scoped3A : memref<!tpu.dma_semaphore, #tpu.memory_space<semaphore_mem>>)
      %dma_wait3A = arith.constant 0 : i32
      %dma_wait3A_16 = arith.constant 0 : i32
      %dma_wait3A_17 = tpu.memref_slice %arg3[%add3A, %dma_wait3A, %dma_wait3A_16] : memref<32x79x128xi32, #tpu.memory_space<hbm>> -> memref<1x79x128xi32, #tpu.memory_space<hbm>>
      %dma_wait3A_18 = tpu.memref_squeeze %dma_wait3A_17 : memref<1x79x128xi32, #tpu.memory_space<hbm>> -> memref<79x128xi32, #tpu.memory_space<hbm>>
      %dma_wait3A_19 = arith.constant 0 : i32
      %dma_wait3A_20 = arith.constant 0 : i32
      %dma_wait3A_21 = tpu.memref_slice %arg3[%add3A, %dma_wait3A_19, %dma_wait3A_20] : memref<32x79x128xi32, #tpu.memory_space<hbm>> -> memref<1x79x128xi32, #tpu.memory_space<hbm>>
      %dma_wait3A_22 = tpu.memref_squeeze %dma_wait3A_21 : memref<1x79x128xi32, #tpu.memory_space<hbm>> -> memref<79x128xi32, #tpu.memory_space<hbm>>
      tpu.wait_dma2 semaphore(%run_scoped3A : memref<!tpu.dma_semaphore, #tpu.memory_space<semaphore_mem>>) src(%dma_wait3A_22 : memref<79x128xi32, #tpu.memory_space<hbm>>) dst(%arg6 : memref<79x128xi32, #tpu.memory_space<vmem>>)
      tpu.yield
    }) : () -> ()
    "tpu.region"() ({
      %run_scoped3A = tpu.sem_alloc : memref<!tpu.dma_semaphore, #tpu.memory_space<semaphore_mem>>
      %dma_start3A = arith.constant 0 : i32
      %dma_start3A_9 = arith.constant 0 : i32
      %dma_start3A_10 = tpu.memref_slice %arg4[%add3A, %dma_start3A, %dma_start3A_9] : memref<32x79x128xi32, #tpu.memory_space<hbm>> -> memref<1x79x128xi32, #tpu.memory_space<hbm>>
      %dma_start3A_11 = tpu.memref_squeeze %dma_start3A_10 : memref<1x79x128xi32, #tpu.memory_space<hbm>> -> memref<79x128xi32, #tpu.memory_space<hbm>>
      %dma_start3A_12 = arith.constant 0 : i32
      %dma_start3A_13 = arith.constant 0 : i32
      %dma_start3A_14 = tpu.memref_slice %arg4[%add3A, %dma_start3A_12, %dma_start3A_13] : memref<32x79x128xi32, #tpu.memory_space<hbm>> -> memref<1x79x128xi32, #tpu.memory_space<hbm>>
      %dma_start3A_15 = tpu.memref_squeeze %dma_start3A_14 : memref<1x79x128xi32, #tpu.memory_space<hbm>> -> memref<79x128xi32, #tpu.memory_space<hbm>>
      tpu.enqueue_dma source(%dma_start3A_15 : memref<79x128xi32, #tpu.memory_space<hbm>>) target(%arg7 : memref<79x128xi32, #tpu.memory_space<vmem>>) target_semaphore(%run_scoped3A : memref<!tpu.dma_semaphore, #tpu.memory_space<semaphore_mem>>)
      %dma_wait3A = arith.constant 0 : i32
      %dma_wait3A_16 = arith.constant 0 : i32
      %dma_wait3A_17 = tpu.memref_slice %arg4[%add3A, %dma_wait3A, %dma_wait3A_16] : memref<32x79x128xi32, #tpu.memory_space<hbm>> -> memref<1x79x128xi32, #tpu.memory_space<hbm>>
      %dma_wait3A_18 = tpu.memref_squeeze %dma_wait3A_17 : memref<1x79x128xi32, #tpu.memory_space<hbm>> -> memref<79x128xi32, #tpu.memory_space<hbm>>
      %dma_wait3A_19 = arith.constant 0 : i32
      %dma_wait3A_20 = arith.constant 0 : i32
      %dma_wait3A_21 = tpu.memref_slice %arg4[%add3A, %dma_wait3A_19, %dma_wait3A_20] : memref<32x79x128xi32, #tpu.memory_space<hbm>> -> memref<1x79x128xi32, #tpu.memory_space<hbm>>
      %dma_wait3A_22 = tpu.memref_squeeze %dma_wait3A_21 : memref<1x79x128xi32, #tpu.memory_space<hbm>> -> memref<79x128xi32, #tpu.memory_space<hbm>>
      tpu.wait_dma2 semaphore(%run_scoped3A : memref<!tpu.dma_semaphore, #tpu.memory_space<semaphore_mem>>) src(%dma_wait3A_22 : memref<79x128xi32, #tpu.memory_space<hbm>>) dst(%arg7 : memref<79x128xi32, #tpu.memory_space<vmem>>)
      tpu.yield
    }) : () -> ()
    %mul3A_1 = arith.constant 632 : i32
    %mul3A_2 = arith.muli %arg1, %mul3A_1 : i32
    "tpu.region"() ({
      %run_scoped3A = tpu.sem_alloc : memref<!tpu.dma_semaphore, #tpu.memory_space<semaphore_mem>>
      %dma_start3A = arith.constant 0 : i32
      %dma_start3A_9 = tpu.memref_slice %arg9[%mul3A_2, %dma_start3A] : memref<10112x128xf32, #tpu.memory_space<vmem_shared>> -> memref<632x128xf32, #tpu.memory_space<vmem_shared>>
      %dma_start3A_10 = arith.constant 0 : i32
      %dma_start3A_11 = tpu.memref_slice %arg2[%mul3A_2, %dma_start3A_10] : memref<10112x128xf32, #tpu.memory_space<hbm>> -> memref<632x128xf32, #tpu.memory_space<hbm>>
      tpu.enqueue_dma source(%dma_start3A_11 : memref<632x128xf32, #tpu.memory_space<hbm>>) target(%dma_start3A_9 : memref<632x128xf32, #tpu.memory_space<vmem_shared>>) target_semaphore(%run_scoped3A : memref<!tpu.dma_semaphore, #tpu.memory_space<semaphore_mem>>)
      %dma_wait3A = arith.constant 0 : i32
      %dma_wait3A_12 = tpu.memref_slice %arg9[%mul3A_2, %dma_wait3A] : memref<10112x128xf32, #tpu.memory_space<vmem_shared>> -> memref<632x128xf32, #tpu.memory_space<vmem_shared>>
      %dma_wait3A_13 = arith.constant 0 : i32
      %dma_wait3A_14 = tpu.memref_slice %arg2[%mul3A_2, %dma_wait3A_13] : memref<10112x128xf32, #tpu.memory_space<hbm>> -> memref<632x128xf32, #tpu.memory_space<hbm>>
      tpu.wait_dma2 semaphore(%run_scoped3A : memref<!tpu.dma_semaphore, #tpu.memory_space<semaphore_mem>>) src(%dma_wait3A_14 : memref<632x128xf32, #tpu.memory_space<hbm>>) dst(%dma_wait3A_12 : memref<632x128xf32, #tpu.memory_space<vmem_shared>>)
      tpu.yield
    }) : () -> ()
    %barrier3A = arith.constant 0 : index
    tpu.barrier barrier_id(%barrier3A)
    %scan3A = arith.constant 0 : i32
    %scan3A_3 = arith.constant 0 : i32
    %scan3A_4 = arith.constant 79 : i32
    %scan3A_5 = arith.addi %scan3A_3, %scan3A_4 : i32
    %scan3A_6 = arith.constant 1 : i32
    scf.for %scan3A_9 = %scan3A_3 to %scan3A_5 step %scan3A_6  : i32 {
      %dma_start3A = arith.constant 0 : i32
      %dma_start3A_10 = tpu.memref_slice %arg6[%scan3A_9, %dma_start3A] : memref<79x128xi32, #tpu.memory_space<vmem>> -> memref<1x128xi32, #tpu.memory_space<vmem>>
      %dma_start3A_11 = tpu.memref_squeeze %dma_start3A_10 : memref<1x128xi32, #tpu.memory_space<vmem>> -> memref<128xi32, #tpu.memory_space<vmem>>
      %dma_start3A_12 = arith.constant 0 : i32
      %dma_start3A_13 = arith.constant 0 : i32
      %dma_start3A_14 = tpu.memref_slice %arg2[%dma_start3A_12, %dma_start3A_13] : memref<10112x128xf32, #tpu.memory_space<hbm>> -> memref<10112x128xf32, #tpu.memory_space<hbm>>
      tpu.enqueue_indirect_dma source(%dma_start3A_14 : memref<10112x128xf32, #tpu.memory_space<hbm>>) target(%arg8 : memref<128x128xf32, #tpu.memory_space<vmem>>) offsets(%dma_start3A_11 : memref<128xi32, #tpu.memory_space<vmem>>) semaphore(%arg10 : memref<!tpu.dma_semaphore, #tpu.memory_space<semaphore_mem>>)
      %dma_wait3A = arith.constant 0 : i32
      %dma_wait3A_15 = tpu.memref_slice %arg6[%scan3A_9, %dma_wait3A] : memref<79x128xi32, #tpu.memory_space<vmem>> -> memref<1x128xi32, #tpu.memory_space<vmem>>
      %dma_wait3A_16 = tpu.memref_squeeze %dma_wait3A_15 : memref<1x128xi32, #tpu.memory_space<vmem>> -> memref<128xi32, #tpu.memory_space<vmem>>
      %dma_wait3A_17 = arith.constant 0 : i32
      %dma_wait3A_18 = arith.constant 0 : i32
      %dma_wait3A_19 = tpu.memref_slice %arg2[%dma_wait3A_17, %dma_wait3A_18] : memref<10112x128xf32, #tpu.memory_space<hbm>> -> memref<10112x128xf32, #tpu.memory_space<hbm>>
      tpu.wait_indirect_dma semaphore(%arg10 : memref<!tpu.dma_semaphore, #tpu.memory_space<semaphore_mem>>) src(%dma_wait3A_19 : memref<10112x128xf32, #tpu.memory_space<hbm>>) dst(%arg8 : memref<128x128xf32, #tpu.memory_space<vmem>>)
      "tpu.region"() ({
        %run_scoped3A = tpu.sem_alloc : memref<!tpu.dma_semaphore, #tpu.memory_space<semaphore_mem>>
        %dma_start3A_20 = arith.constant 0 : i32
        %dma_start3A_21 = tpu.memref_slice %arg7[%scan3A_9, %dma_start3A_20] : memref<79x128xi32, #tpu.memory_space<vmem>> -> memref<1x128xi32, #tpu.memory_space<vmem>>
        %dma_start3A_22 = tpu.memref_squeeze %dma_start3A_21 : memref<1x128xi32, #tpu.memory_space<vmem>> -> memref<128xi32, #tpu.memory_space<vmem>>
        %dma_start3A_23 = arith.constant 0 : i32
        %dma_start3A_24 = arith.constant 0 : i32
        %dma_start3A_25 = tpu.memref_slice %arg9[%dma_start3A_23, %dma_start3A_24] : memref<10112x128xf32, #tpu.memory_space<vmem_shared>> -> memref<10112x128xf32, #tpu.memory_space<vmem_shared>>
        tpu.enqueue_indirect_dma source(%arg8 : memref<128x128xf32, #tpu.memory_space<vmem>>) target(%dma_start3A_25 : memref<10112x128xf32, #tpu.memory_space<vmem_shared>>) offsets(%dma_start3A_22 : memref<128xi32, #tpu.memory_space<vmem>>) semaphore(%run_scoped3A : memref<!tpu.dma_semaphore, #tpu.memory_space<semaphore_mem>>) {add = true}
        %dma_wait3A_26 = arith.constant 0 : i32
        %dma_wait3A_27 = tpu.memref_slice %arg7[%scan3A_9, %dma_wait3A_26] : memref<79x128xi32, #tpu.memory_space<vmem>> -> memref<1x128xi32, #tpu.memory_space<vmem>>
        %dma_wait3A_28 = tpu.memref_squeeze %dma_wait3A_27 : memref<1x128xi32, #tpu.memory_space<vmem>> -> memref<128xi32, #tpu.memory_space<vmem>>
        %dma_wait3A_29 = arith.constant 0 : i32
        %dma_wait3A_30 = arith.constant 0 : i32
        %dma_wait3A_31 = tpu.memref_slice %arg9[%dma_wait3A_29, %dma_wait3A_30] : memref<10112x128xf32, #tpu.memory_space<vmem_shared>> -> memref<10112x128xf32, #tpu.memory_space<vmem_shared>>
        tpu.wait_indirect_dma semaphore(%run_scoped3A : memref<!tpu.dma_semaphore, #tpu.memory_space<semaphore_mem>>) src(%arg8 : memref<128x128xf32, #tpu.memory_space<vmem>>) dst(%dma_wait3A_31 : memref<10112x128xf32, #tpu.memory_space<vmem_shared>>)
        tpu.yield
      }) : () -> ()
    }
    %scan3A_7 = arith.constant 79 : i32
    %barrier3A_8 = arith.constant 0 : index
    tpu.barrier barrier_id(%barrier3A_8)
    "tpu.region"() ({
      %run_scoped3A = tpu.sem_alloc : memref<!tpu.dma_semaphore, #tpu.memory_space<semaphore_mem>>
      %dma_start3A = arith.constant 0 : i32
      %dma_start3A_9 = tpu.memref_slice %arg5[%arg0, %mul3A_2, %dma_start3A] : memref<2x10112x128xf32, #tpu.memory_space<hbm>> -> memref<1x632x128xf32, #tpu.memory_space<hbm>>
      %dma_start3A_10 = tpu.memref_squeeze %dma_start3A_9 : memref<1x632x128xf32, #tpu.memory_space<hbm>> -> memref<632x128xf32, #tpu.memory_space<hbm>>
      %dma_start3A_11 = arith.constant 0 : i32
      %dma_start3A_12 = tpu.memref_slice %arg9[%mul3A_2, %dma_start3A_11] : memref<10112x128xf32, #tpu.memory_space<vmem_shared>> -> memref<632x128xf32, #tpu.memory_space<vmem_shared>>
      tpu.enqueue_dma source(%dma_start3A_12 : memref<632x128xf32, #tpu.memory_space<vmem_shared>>) target(%dma_start3A_10 : memref<632x128xf32, #tpu.memory_space<hbm>>) target_semaphore(%run_scoped3A : memref<!tpu.dma_semaphore, #tpu.memory_space<semaphore_mem>>)
      %dma_wait3A = arith.constant 0 : i32
      %dma_wait3A_13 = tpu.memref_slice %arg5[%arg0, %mul3A_2, %dma_wait3A] : memref<2x10112x128xf32, #tpu.memory_space<hbm>> -> memref<1x632x128xf32, #tpu.memory_space<hbm>>
      %dma_wait3A_14 = tpu.memref_squeeze %dma_wait3A_13 : memref<1x632x128xf32, #tpu.memory_space<hbm>> -> memref<632x128xf32, #tpu.memory_space<hbm>>
      %dma_wait3A_15 = arith.constant 0 : i32
      %dma_wait3A_16 = tpu.memref_slice %arg9[%mul3A_2, %dma_wait3A_15] : memref<10112x128xf32, #tpu.memory_space<vmem_shared>> -> memref<632x128xf32, #tpu.memory_space<vmem_shared>>
      tpu.wait_dma2 semaphore(%run_scoped3A : memref<!tpu.dma_semaphore, #tpu.memory_space<semaphore_mem>>) src(%dma_wait3A_16 : memref<632x128xf32, #tpu.memory_space<vmem_shared>>) dst(%dma_wait3A_14 : memref<632x128xf32, #tpu.memory_space<hbm>>)
      tpu.yield
    }) : () -> ()
    return
  }
}

#map = affine_map<(d0, d1) -> (0, 0)>
#map1 = affine_map<(d0, d1) -> (0, 0, 0)>
module attributes {stable_mosaic.version = 14 : i64} {
  func.func @_scatter_sc(%arg0: i32, %arg1: i32, %arg2: memref<10112x128xf32, #tpu.memory_space<hbm>>, %arg3: memref<32x79x128xi32, #tpu.memory_space<hbm>>, %arg4: memref<32x79x128xi32, #tpu.memory_space<hbm>>, %arg5: memref<2x10112x128xf32, #tpu.memory_space<hbm>>, %arg6: memref<79x128xi32, #tpu.memory_space<vmem>>, %arg7: memref<79x128xi32, #tpu.memory_space<vmem>>, %arg8: memref<128x128xf32, #tpu.memory_space<vmem>>, %arg9: memref<10112x128xf32, #tpu.memory_space<vmem_shared>>, %arg10: memref<!tpu.dma_semaphore, #tpu.memory_space<semaphore_mem>>) attributes {dimension_semantics = [#tpu.dimension_semantics<core_parallel>, #tpu.dimension_semantics<subcore_parallel>], iteration_bounds = array<i64: 2, 16>, scalar_prefetch = 0 : i64, scratch_operands = 5 : i64, tpu.core_type = #tpu.core_type<sc_vector_subcore>, window_params = [{transform_indices = #map}, {transform_indices = #map1}, {transform_indices = #map1}, {transform_indices = #map1}]} {
    %mul3A = arith.constant 16 : i32
    %mul3A_0 = arith.muli %arg0, %mul3A : i32
    %add3A = arith.addi %mul3A_0, %arg1 : i32
    "tpu.region"() ({
      %run_scoped3A = tpu.sem_alloc : memref<!tpu.dma_semaphore, #tpu.memory_space<semaphore_mem>>
      %dma_start3A = arith.constant 0 : i32
      %dma_start3A_9 = arith.constant 0 : i32
      %dma_start3A_10 = tpu.memref_slice %arg3[%add3A, %dma_start3A, %dma_start3A_9] : memref<32x79x128xi32, #tpu.memory_space<hbm>> -> memref<1x79x128xi32, #tpu.memory_space<hbm>>
      %dma_start3A_11 = tpu.memref_squeeze %dma_start3A_10 : memref<1x79x128xi32, #tpu.memory_space<hbm>> -> memref<79x128xi32, #tpu.memory_space<hbm>>
      %dma_start3A_12 = arith.constant 0 : i32
      %dma_start3A_13 = arith.constant 0 : i32
      %dma_start3A_14 = tpu.memref_slice %arg3[%add3A, %dma_start3A_12, %dma_start3A_13] : memref<32x79x128xi32, #tpu.memory_space<hbm>> -> memref<1x79x128xi32, #tpu.memory_space<hbm>>
      %dma_start3A_15 = tpu.memref_squeeze %dma_start3A_14 : memref<1x79x128xi32, #tpu.memory_space<hbm>> -> memref<79x128xi32, #tpu.memory_space<hbm>>
      tpu.enqueue_dma source(%dma_start3A_15 : memref<79x128xi32, #tpu.memory_space<hbm>>) target(%arg6 : memref<79x128xi32, #tpu.memory_space<vmem>>) target_semaphore(%run_scoped3A : memref<!tpu.dma_semaphore, #tpu.memory_space<semaphore_mem>>)
      %dma_wait3A = arith.constant 0 : i32
      %dma_wait3A_16 = arith.constant 0 : i32
      %dma_wait3A_17 = tpu.memref_slice %arg3[%add3A, %dma_wait3A, %dma_wait3A_16] : memref<32x79x128xi32, #tpu.memory_space<hbm>> -> memref<1x79x128xi32, #tpu.memory_space<hbm>>
      %dma_wait3A_18 = tpu.memref_squeeze %dma_wait3A_17 : memref<1x79x128xi32, #tpu.memory_space<hbm>> -> memref<79x128xi32, #tpu.memory_space<hbm>>
      %dma_wait3A_19 = arith.constant 0 : i32
      %dma_wait3A_20 = arith.constant 0 : i32
      %dma_wait3A_21 = tpu.memref_slice %arg3[%add3A, %dma_wait3A_19, %dma_wait3A_20] : memref<32x79x128xi32, #tpu.memory_space<hbm>> -> memref<1x79x128xi32, #tpu.memory_space<hbm>>
      %dma_wait3A_22 = tpu.memref_squeeze %dma_wait3A_21 : memref<1x79x128xi32, #tpu.memory_space<hbm>> -> memref<79x128xi32, #tpu.memory_space<hbm>>
      tpu.wait_dma2 semaphore(%run_scoped3A : memref<!tpu.dma_semaphore, #tpu.memory_space<semaphore_mem>>) src(%dma_wait3A_22 : memref<79x128xi32, #tpu.memory_space<hbm>>) dst(%arg6 : memref<79x128xi32, #tpu.memory_space<vmem>>)
      tpu.yield
    }) : () -> ()
    "tpu.region"() ({
      %run_scoped3A = tpu.sem_alloc : memref<!tpu.dma_semaphore, #tpu.memory_space<semaphore_mem>>
      %dma_start3A = arith.constant 0 : i32
      %dma_start3A_9 = arith.constant 0 : i32
      %dma_start3A_10 = tpu.memref_slice %arg4[%add3A, %dma_start3A, %dma_start3A_9] : memref<32x79x128xi32, #tpu.memory_space<hbm>> -> memref<1x79x128xi32, #tpu.memory_space<hbm>>
      %dma_start3A_11 = tpu.memref_squeeze %dma_start3A_10 : memref<1x79x128xi32, #tpu.memory_space<hbm>> -> memref<79x128xi32, #tpu.memory_space<hbm>>
      %dma_start3A_12 = arith.constant 0 : i32
      %dma_start3A_13 = arith.constant 0 : i32
      %dma_start3A_14 = tpu.memref_slice %arg4[%add3A, %dma_start3A_12, %dma_start3A_13] : memref<32x79x128xi32, #tpu.memory_space<hbm>> -> memref<1x79x128xi32, #tpu.memory_space<hbm>>
      %dma_start3A_15 = tpu.memref_squeeze %dma_start3A_14 : memref<1x79x128xi32, #tpu.memory_space<hbm>> -> memref<79x128xi32, #tpu.memory_space<hbm>>
      tpu.enqueue_dma source(%dma_start3A_15 : memref<79x128xi32, #tpu.memory_space<hbm>>) target(%arg7 : memref<79x128xi32, #tpu.memory_space<vmem>>) target_semaphore(%run_scoped3A : memref<!tpu.dma_semaphore, #tpu.memory_space<semaphore_mem>>)
      %dma_wait3A = arith.constant 0 : i32
      %dma_wait3A_16 = arith.constant 0 : i32
      %dma_wait3A_17 = tpu.memref_slice %arg4[%add3A, %dma_wait3A, %dma_wait3A_16] : memref<32x79x128xi32, #tpu.memory_space<hbm>> -> memref<1x79x128xi32, #tpu.memory_space<hbm>>
      %dma_wait3A_18 = tpu.memref_squeeze %dma_wait3A_17 : memref<1x79x128xi32, #tpu.memory_space<hbm>> -> memref<79x128xi32, #tpu.memory_space<hbm>>
      %dma_wait3A_19 = arith.constant 0 : i32
      %dma_wait3A_20 = arith.constant 0 : i32
      %dma_wait3A_21 = tpu.memref_slice %arg4[%add3A, %dma_wait3A_19, %dma_wait3A_20] : memref<32x79x128xi32, #tpu.memory_space<hbm>> -> memref<1x79x128xi32, #tpu.memory_space<hbm>>
      %dma_wait3A_22 = tpu.memref_squeeze %dma_wait3A_21 : memref<1x79x128xi32, #tpu.memory_space<hbm>> -> memref<79x128xi32, #tpu.memory_space<hbm>>
      tpu.wait_dma2 semaphore(%run_scoped3A : memref<!tpu.dma_semaphore, #tpu.memory_space<semaphore_mem>>) src(%dma_wait3A_22 : memref<79x128xi32, #tpu.memory_space<hbm>>) dst(%arg7 : memref<79x128xi32, #tpu.memory_space<vmem>>)
      tpu.yield
    }) : () -> ()
    %mul3A_1 = arith.constant 632 : i32
    %mul3A_2 = arith.muli %arg1, %mul3A_1 : i32
    "tpu.region"() ({
      %run_scoped3A = tpu.sem_alloc : memref<!tpu.dma_semaphore, #tpu.memory_space<semaphore_mem>>
      %dma_start3A = arith.constant 0 : i32
      %dma_start3A_9 = tpu.memref_slice %arg9[%mul3A_2, %dma_start3A] : memref<10112x128xf32, #tpu.memory_space<vmem_shared>> -> memref<632x128xf32, #tpu.memory_space<vmem_shared>>
      %dma_start3A_10 = arith.constant 0 : i32
      %dma_start3A_11 = tpu.memref_slice %arg2[%mul3A_2, %dma_start3A_10] : memref<10112x128xf32, #tpu.memory_space<hbm>> -> memref<632x128xf32, #tpu.memory_space<hbm>>
      tpu.enqueue_dma source(%dma_start3A_11 : memref<632x128xf32, #tpu.memory_space<hbm>>) target(%dma_start3A_9 : memref<632x128xf32, #tpu.memory_space<vmem_shared>>) target_semaphore(%run_scoped3A : memref<!tpu.dma_semaphore, #tpu.memory_space<semaphore_mem>>)
      %dma_wait3A = arith.constant 0 : i32
      %dma_wait3A_12 = tpu.memref_slice %arg9[%mul3A_2, %dma_wait3A] : memref<10112x128xf32, #tpu.memory_space<vmem_shared>> -> memref<632x128xf32, #tpu.memory_space<vmem_shared>>
      %dma_wait3A_13 = arith.constant 0 : i32
      %dma_wait3A_14 = tpu.memref_slice %arg2[%mul3A_2, %dma_wait3A_13] : memref<10112x128xf32, #tpu.memory_space<hbm>> -> memref<632x128xf32, #tpu.memory_space<hbm>>
      tpu.wait_dma2 semaphore(%run_scoped3A : memref<!tpu.dma_semaphore, #tpu.memory_space<semaphore_mem>>) src(%dma_wait3A_14 : memref<632x128xf32, #tpu.memory_space<hbm>>) dst(%dma_wait3A_12 : memref<632x128xf32, #tpu.memory_space<vmem_shared>>)
      tpu.yield
    }) : () -> ()
    %barrier3A = arith.constant 0 : index
    tpu.barrier barrier_id(%barrier3A)
    %scan3A = arith.constant 0 : i32
    %scan3A_3 = arith.constant 0 : i32
    %scan3A_4 = arith.constant 79 : i32
    %scan3A_5 = arith.addi %scan3A_3, %scan3A_4 : i32
    %scan3A_6 = arith.constant 1 : i32
    scf.for %scan3A_9 = %scan3A_3 to %scan3A_5 step %scan3A_6  : i32 {
      %dma_start3A = arith.constant 0 : i32
      %dma_start3A_10 = tpu.memref_slice %arg6[%scan3A_9, %dma_start3A] : memref<79x128xi32, #tpu.memory_space<vmem>> -> memref<1x128xi32, #tpu.memory_space<vmem>>
      %dma_start3A_11 = tpu.memref_squeeze %dma_start3A_10 : memref<1x128xi32, #tpu.memory_space<vmem>> -> memref<128xi32, #tpu.memory_space<vmem>>
      %dma_start3A_12 = arith.constant 0 : i32
      %dma_start3A_13 = arith.constant 0 : i32
      %dma_start3A_14 = tpu.memref_slice %arg2[%dma_start3A_12, %dma_start3A_13] : memref<10112x128xf32, #tpu.memory_space<hbm>> -> memref<10112x128xf32, #tpu.memory_space<hbm>>
      tpu.enqueue_indirect_dma source(%dma_start3A_14 : memref<10112x128xf32, #tpu.memory_space<hbm>>) target(%arg8 : memref<128x128xf32, #tpu.memory_space<vmem>>) offsets(%dma_start3A_11 : memref<128xi32, #tpu.memory_space<vmem>>) semaphore(%arg10 : memref<!tpu.dma_semaphore, #tpu.memory_space<semaphore_mem>>)
      %dma_wait3A = arith.constant 0 : i32
      %dma_wait3A_15 = tpu.memref_slice %arg6[%scan3A_9, %dma_wait3A] : memref<79x128xi32, #tpu.memory_space<vmem>> -> memref<1x128xi32, #tpu.memory_space<vmem>>
      %dma_wait3A_16 = tpu.memref_squeeze %dma_wait3A_15 : memref<1x128xi32, #tpu.memory_space<vmem>> -> memref<128xi32, #tpu.memory_space<vmem>>
      %dma_wait3A_17 = arith.constant 0 : i32
      %dma_wait3A_18 = arith.constant 0 : i32
      %dma_wait3A_19 = tpu.memref_slice %arg2[%dma_wait3A_17, %dma_wait3A_18] : memref<10112x128xf32, #tpu.memory_space<hbm>> -> memref<10112x128xf32, #tpu.memory_space<hbm>>
      tpu.wait_indirect_dma semaphore(%arg10 : memref<!tpu.dma_semaphore, #tpu.memory_space<semaphore_mem>>) src(%dma_wait3A_19 : memref<10112x128xf32, #tpu.memory_space<hbm>>) dst(%arg8 : memref<128x128xf32, #tpu.memory_space<vmem>>)
      "tpu.region"() ({
        %run_scoped3A = tpu.sem_alloc : memref<!tpu.dma_semaphore, #tpu.memory_space<semaphore_mem>>
        %dma_start3A_20 = arith.constant 0 : i32
        %dma_start3A_21 = tpu.memref_slice %arg7[%scan3A_9, %dma_start3A_20] : memref<79x128xi32, #tpu.memory_space<vmem>> -> memref<1x128xi32, #tpu.memory_space<vmem>>
        %dma_start3A_22 = tpu.memref_squeeze %dma_start3A_21 : memref<1x128xi32, #tpu.memory_space<vmem>> -> memref<128xi32, #tpu.memory_space<vmem>>
        %dma_start3A_23 = arith.constant 0 : i32
        %dma_start3A_24 = arith.constant 0 : i32
        %dma_start3A_25 = tpu.memref_slice %arg9[%dma_start3A_23, %dma_start3A_24] : memref<10112x128xf32, #tpu.memory_space<vmem_shared>> -> memref<10112x128xf32, #tpu.memory_space<vmem_shared>>
        tpu.enqueue_indirect_dma source(%arg8 : memref<128x128xf32, #tpu.memory_space<vmem>>) target(%dma_start3A_25 : memref<10112x128xf32, #tpu.memory_space<vmem_shared>>) offsets(%dma_start3A_22 : memref<128xi32, #tpu.memory_space<vmem>>) semaphore(%run_scoped3A : memref<!tpu.dma_semaphore, #tpu.memory_space<semaphore_mem>>) {add = true}
        %dma_wait3A_26 = arith.constant 0 : i32
        %dma_wait3A_27 = tpu.memref_slice %arg7[%scan3A_9, %dma_wait3A_26] : memref<79x128xi32, #tpu.memory_space<vmem>> -> memref<1x128xi32, #tpu.memory_space<vmem>>
        %dma_wait3A_28 = tpu.memref_squeeze %dma_wait3A_27 : memref<1x128xi32, #tpu.memory_space<vmem>> -> memref<128xi32, #tpu.memory_space<vmem>>
        %dma_wait3A_29 = arith.constant 0 : i32
        %dma_wait3A_30 = arith.constant 0 : i32
        %dma_wait3A_31 = tpu.memref_slice %arg9[%dma_wait3A_29, %dma_wait3A_30] : memref<10112x128xf32, #tpu.memory_space<vmem_shared>> -> memref<10112x128xf32, #tpu.memory_space<vmem_shared>>
        tpu.wait_indirect_dma semaphore(%run_scoped3A : memref<!tpu.dma_semaphore, #tpu.memory_space<semaphore_mem>>) src(%arg8 : memref<128x128xf32, #tpu.memory_space<vmem>>) dst(%dma_wait3A_31 : memref<10112x128xf32, #tpu.memory_space<vmem_shared>>)
        tpu.yield
      }) : () -> ()
    }
    %scan3A_7 = arith.constant 79 : i32
    %barrier3A_8 = arith.constant 0 : index
    tpu.barrier barrier_id(%barrier3A_8)
    "tpu.region"() ({
      %run_scoped3A = tpu.sem_alloc : memref<!tpu.dma_semaphore, #tpu.memory_space<semaphore_mem>>
      %dma_start3A = arith.constant 0 : i32
      %dma_start3A_9 = tpu.memref_slice %arg5[%arg0, %mul3A_2, %dma_start3A] : memref<2x10112x128xf32, #tpu.memory_space<hbm>> -> memref<1x632x128xf32, #tpu.memory_space<hbm>>
      %dma_start3A_10 = tpu.memref_squeeze %dma_start3A_9 : memref<1x632x128xf32, #tpu.memory_space<hbm>> -> memref<632x128xf32, #tpu.memory_space<hbm>>
      %dma_start3A_11 = arith.constant 0 : i32
      %dma_start3A_12 = tpu.memref_slice %arg9[%mul3A_2, %dma_start3A_11] : memref<10112x128xf32, #tpu.memory_space<vmem_shared>> -> memref<632x128xf32, #tpu.memory_space<vmem_shared>>
      tpu.enqueue_dma source(%dma_start3A_12 : memref<632x128xf32, #tpu.memory_space<vmem_shared>>) target(%dma_start3A_10 : memref<632x128xf32, #tpu.memory_space<hbm>>) target_semaphore(%run_scoped3A : memref<!tpu.dma_semaphore, #tpu.memory_space<semaphore_mem>>)
      %dma_wait3A = arith.constant 0 : i32
      %dma_wait3A_13 = tpu.memref_slice %arg5[%arg0, %mul3A_2, %dma_wait3A] : memref<2x10112x128xf32, #tpu.memory_space<hbm>> -> memref<1x632x128xf32, #tpu.memory_space<hbm>>
      %dma_wait3A_14 = tpu.memref_squeeze %dma_wait3A_13 : memref<1x632x128xf32, #tpu.memory_space<hbm>> -> memref<632x128xf32, #tpu.memory_space<hbm>>
      %dma_wait3A_15 = arith.constant 0 : i32
      %dma_wait3A_16 = tpu.memref_slice %arg9[%mul3A_2, %dma_wait3A_15] : memref<10112x128xf32, #tpu.memory_space<vmem_shared>> -> memref<632x128xf32, #tpu.memory_space<vmem_shared>>
      tpu.wait_dma2 semaphore(%run_scoped3A : memref<!tpu.dma_semaphore, #tpu.memory_space<semaphore_mem>>) src(%dma_wait3A_16 : memref<632x128xf32, #tpu.memory_space<vmem_shared>>) dst(%dma_wait3A_14 : memref<632x128xf32, #tpu.memory_space<hbm>>)
      tpu.yield
    }) : () -> ()
    return
  }
}

module attributes {stable_mosaic.version = 14 : i64} {
  func.func @_prep_body(%arg0: memref<10112x128xf32, #tpu.memory_space<vmem>>, %arg1: memref<128x128xf32, #tpu.memory_space<vmem>>, %arg2: memref<2x10112x128xf32, #tpu.memory_space<vmem>>, %arg3: memref<10112x128xf32, #tpu.memory_space<vmem>>, %arg4: memref<10112x128xf32, #tpu.memory_space<vmem>>) attributes {dimension_semantics = [], scalar_prefetch = 0 : i64, scratch_operands = 0 : i64, tpu.core_type = #tpu.core_type<tc>} {
    %get3A = arith.constant 0 : index
    %get3A_0 = arith.constant 0 : index
    %get3A_1 = arith.constant 0 : index
    %get3A_2 = vector.load %arg2[%get3A, %get3A_0, %get3A_1] : memref<2x10112x128xf32, #tpu.memory_space<vmem>>, vector<1x10112x128xf32>
    %get3A_3 = vector.shape_cast %get3A_2 : vector<1x10112x128xf32> to vector<10112x128xf32>
    %get3A_4 = arith.constant 1 : index
    %get3A_5 = arith.constant 0 : index
    %get3A_6 = arith.constant 0 : index
    %get3A_7 = vector.load %arg2[%get3A_4, %get3A_5, %get3A_6] : memref<2x10112x128xf32, #tpu.memory_space<vmem>>, vector<1x10112x128xf32>
    %get3A_8 = vector.shape_cast %get3A_7 : vector<1x10112x128xf32> to vector<10112x128xf32>
    %add3A = arith.addf %get3A_3, %get3A_8 : vector<10112x128xf32>
    %add3A_9 = arith.constant 1.000000e+00 : f32
    %add3A_10 = vector.broadcast %add3A_9 : f32 to vector<10112x128xf32>
    %add3A_11 = arith.addf %add3A, %add3A_10 : vector<10112x128xf32>
    %max3A = arith.constant 1.000000e+00 : f32
    %max3A_12 = vector.broadcast %max3A : f32 to vector<10112x128xf32>
    %max3A_13 = arith.maximumf %add3A_11, %max3A_12 : vector<10112x128xf32>
    %rsqrt3A = math.rsqrt %max3A_13 : vector<10112x128xf32>
    %get3A_14 = arith.constant 0 : index
    %get3A_15 = arith.constant 0 : index
    %get3A_16 = vector.load %arg0[%get3A_14, %get3A_15] : memref<10112x128xf32, #tpu.memory_space<vmem>>, vector<10112x128xf32>
    %get3A_17 = arith.constant 0 : index
    %get3A_18 = arith.constant 0 : index
    %get3A_19 = vector.load %arg1[%get3A_17, %get3A_18] : memref<128x128xf32, #tpu.memory_space<vmem>>, vector<128x128xf32>
    %dot_general3A = arith.constant dense<0.000000e+00> : vector<10112x128xf32>
    %dot_general3A_20 = tpu.matmul %get3A_16, %get3A_19, %dot_general3A {dimension_numbers = #tpu.dot_dimension_numbers<[1], [0], [0], [1], [0, 0, 1, 1], [], []>, precision = #tpu.contract_precision<fp32>, transpose_lhs_hint = false} : vector<10112x128xf32>, vector<128x128xf32>, vector<10112x128xf32> -> vector<10112x128xf32>
    %mul3A = arith.mulf %dot_general3A_20, %rsqrt3A : vector<10112x128xf32>
    %iota3A = tpu.iota {dimensions = array<i32: 0>} : vector<10112x1xi32>
    %lt3A = arith.constant 10000 : i32
    %lt3A_21 = vector.broadcast %lt3A : i32 to vector<10112x1xi32>
    %lt3A_22 = arith.cmpi slt, %iota3A, %lt3A_21 : vector<10112x1xi32>
    %convert_element_type3A = arith.extui %lt3A_22 : vector<10112x1xi1> to vector<10112x1xi32>
    %convert_element_type3A_23 = arith.sitofp %convert_element_type3A : vector<10112x1xi32> to vector<10112x1xf32>
    %mul3A_24 = vector.broadcast %convert_element_type3A_23 : vector<10112x1xf32> to vector<10112x128xf32>
    %mul3A_25 = arith.mulf %mul3A, %mul3A_24 : vector<10112x128xf32>
    %swap3A = arith.constant 0 : index
    %swap3A_26 = arith.constant 0 : index
    %swap3A_27 = vector.load %arg3[%swap3A, %swap3A_26] : memref<10112x128xf32, #tpu.memory_space<vmem>>, vector<10112x128xf32>
    tpu.vector_store %arg3[%swap3A, %swap3A_26], %mul3A_25 {strides = array<i32>} : memref<10112x128xf32, #tpu.memory_space<vmem>>, vector<10112x128xf32>,
    %swap3A_28 = arith.constant 0 : index
    %swap3A_29 = arith.constant 0 : index
    %swap3A_30 = vector.load %arg4[%swap3A_28, %swap3A_29] : memref<10112x128xf32, #tpu.memory_space<vmem>>, vector<10112x128xf32>
    tpu.vector_store %arg4[%swap3A_28, %swap3A_29], %rsqrt3A {strides = array<i32>} : memref<10112x128xf32, #tpu.memory_space<vmem>>, vector<10112x128xf32>,
    return
  }
}

module attributes {stable_mosaic.version = 14 : i64} {
  func.func @_mid_body(%arg0: memref<2x10112x128xf32, #tpu.memory_space<vmem>>, %arg1: memref<10112x128xf32, #tpu.memory_space<vmem>>, %arg2: memref<10112x128xf32, #tpu.memory_space<vmem>>, %arg3: memref<1x128xf32, #tpu.memory_space<vmem>>, %arg4: memref<1x128xf32, #tpu.memory_space<vmem>>, %arg5: memref<1x128xf32, #tpu.memory_space<vmem>>, %arg6: memref<128x128xf32, #tpu.memory_space<vmem>>, %arg7: memref<10112x128xf32, #tpu.memory_space<vmem>>) attributes {dimension_semantics = [], scalar_prefetch = 0 : i64, scratch_operands = 0 : i64, tpu.core_type = #tpu.core_type<tc>} {
    %get3A = arith.constant 0 : index
    %get3A_0 = arith.constant 0 : index
    %get3A_1 = vector.load %arg2[%get3A, %get3A_0] : memref<10112x128xf32, #tpu.memory_space<vmem>>, vector<10112x128xf32>
    %get3A_2 = arith.constant 0 : index
    %get3A_3 = arith.constant 0 : index
    %get3A_4 = arith.constant 0 : index
    %get3A_5 = vector.load %arg0[%get3A_2, %get3A_3, %get3A_4] : memref<2x10112x128xf32, #tpu.memory_space<vmem>>, vector<1x10112x128xf32>
    %get3A_6 = vector.shape_cast %get3A_5 : vector<1x10112x128xf32> to vector<10112x128xf32>
    %get3A_7 = arith.constant 1 : index
    %get3A_8 = arith.constant 0 : index
    %get3A_9 = arith.constant 0 : index
    %get3A_10 = vector.load %arg0[%get3A_7, %get3A_8, %get3A_9] : memref<2x10112x128xf32, #tpu.memory_space<vmem>>, vector<1x10112x128xf32>
    %get3A_11 = vector.shape_cast %get3A_10 : vector<1x10112x128xf32> to vector<10112x128xf32>
    %add3A = arith.addf %get3A_6, %get3A_11 : vector<10112x128xf32>
    %get3A_12 = arith.constant 0 : index
    %get3A_13 = arith.constant 0 : index
    %get3A_14 = vector.load %arg1[%get3A_12, %get3A_13] : memref<10112x128xf32, #tpu.memory_space<vmem>>, vector<10112x128xf32>
    %sub3A = arith.subf %add3A, %get3A_14 : vector<10112x128xf32>
    %mul3A = arith.mulf %sub3A, %get3A_1 : vector<10112x128xf32>
    %get3A_15 = arith.constant 0 : index
    %get3A_16 = arith.constant 0 : index
    %get3A_17 = vector.load %arg3[%get3A_15, %get3A_16] : memref<1x128xf32, #tpu.memory_space<vmem>>, vector<1x128xf32>
    %add3A_18 = vector.broadcast %get3A_17 : vector<1x128xf32> to vector<10112x128xf32>
    %add3A_19 = arith.addf %mul3A, %add3A_18 : vector<10112x128xf32>
    %slice3A = vector.extract_strided_slice %add3A_19 {offsets = [0, 0], sizes = [10000, 128], strides = [1, 1]} : vector<10112x128xf32> to vector<10000x128xf32>
    %reduce_sum3A = arith.constant dense<0.000000e+00> : vector<128xf32>
    %reduce_sum3A_20 = vector.multi_reduction <add>, %slice3A, %reduce_sum3A [0] : vector<10000x128xf32> to vector<128xf32>
    %broadcast_in_dim3A = vector.shape_cast %reduce_sum3A_20 : vector<128xf32> to vector<1x128xf32>
    %div3A = arith.constant 1.000000e+04 : f32
    %div3A_21 = vector.broadcast %div3A : f32 to vector<1x128xf32>
    %div3A_22 = arith.divf %broadcast_in_dim3A, %div3A_21 : vector<1x128xf32>
    %sub3A_23 = vector.broadcast %div3A_22 : vector<1x128xf32> to vector<10000x128xf32>
    %sub3A_24 = arith.subf %slice3A, %sub3A_23 : vector<10000x128xf32>
    %integer_pow3A = arith.mulf %sub3A_24, %sub3A_24 : vector<10000x128xf32>
    %reduce_sum3A_25 = arith.constant dense<0.000000e+00> : vector<128xf32>
    %reduce_sum3A_26 = vector.multi_reduction <add>, %integer_pow3A, %reduce_sum3A_25 [0] : vector<10000x128xf32> to vector<128xf32>
    %broadcast_in_dim3A_27 = vector.shape_cast %reduce_sum3A_26 : vector<128xf32> to vector<1x128xf32>
    %div3A_28 = arith.constant 1.000000e+04 : f32
    %div3A_29 = vector.broadcast %div3A_28 : f32 to vector<1x128xf32>
    %div3A_30 = arith.divf %broadcast_in_dim3A_27, %div3A_29 : vector<1x128xf32>
    %sub3A_31 = vector.broadcast %div3A_22 : vector<1x128xf32> to vector<10000x128xf32>
    %sub3A_32 = arith.subf %slice3A, %sub3A_31 : vector<10000x128xf32>
    %add3A_33 = arith.constant 9.99999974E-6 : f32
    %add3A_34 = vector.broadcast %add3A_33 : f32 to vector<1x128xf32>
    %add3A_35 = arith.addf %div3A_30, %add3A_34 : vector<1x128xf32>
    %rsqrt3A = math.rsqrt %add3A_35 : vector<1x128xf32>
    %mul3A_36 = vector.broadcast %rsqrt3A : vector<1x128xf32> to vector<10000x128xf32>
    %mul3A_37 = arith.mulf %sub3A_32, %mul3A_36 : vector<10000x128xf32>
    %get3A_38 = arith.constant 0 : index
    %get3A_39 = arith.constant 0 : index
    %get3A_40 = vector.load %arg4[%get3A_38, %get3A_39] : memref<1x128xf32, #tpu.memory_space<vmem>>, vector<1x128xf32>
    %mul3A_41 = vector.broadcast %get3A_40 : vector<1x128xf32> to vector<10000x128xf32>
    %mul3A_42 = arith.mulf %mul3A_37, %mul3A_41 : vector<10000x128xf32>
    %get3A_43 = arith.constant 0 : index
    %get3A_44 = arith.constant 0 : index
    %get3A_45 = vector.load %arg5[%get3A_43, %get3A_44] : memref<1x128xf32, #tpu.memory_space<vmem>>, vector<1x128xf32>
    %add3A_46 = vector.broadcast %get3A_45 : vector<1x128xf32> to vector<10000x128xf32>
    %add3A_47 = arith.addf %mul3A_42, %add3A_46 : vector<10000x128xf32>
    %max3A = arith.constant 0.000000e+00 : f32
    %max3A_48 = vector.broadcast %max3A : f32 to vector<10000x128xf32>
    %max3A_49 = arith.maximumf %add3A_47, %max3A_48 : vector<10000x128xf32>
    %get3A_50 = arith.constant 0 : index
    %get3A_51 = arith.constant 0 : index
    %get3A_52 = vector.load %arg6[%get3A_50, %get3A_51] : memref<128x128xf32, #tpu.memory_space<vmem>>, vector<128x128xf32>
    %dot_general3A = arith.constant dense<0.000000e+00> : vector<10000x128xf32>
    %dot_general3A_53 = tpu.matmul %max3A_49, %get3A_52, %dot_general3A {dimension_numbers = #tpu.dot_dimension_numbers<[1], [0], [0], [1], [0, 0, 1, 1], [], []>, precision = #tpu.contract_precision<fp32>, transpose_lhs_hint = false} : vector<10000x128xf32>, vector<128x128xf32>, vector<10000x128xf32> -> vector<10000x128xf32>
    %slice3A_54 = vector.extract_strided_slice %get3A_1 {offsets = [0, 0], sizes = [10000, 128], strides = [1, 1]} : vector<10112x128xf32> to vector<10000x128xf32>
    %mul3A_55 = arith.mulf %dot_general3A_53, %slice3A_54 : vector<10000x128xf32>
    %swap3A = arith.constant 0 : index
    %swap3A_56 = arith.constant 0 : index
    %swap3A_57 = vector.load %arg7[%swap3A, %swap3A_56] : memref<10112x128xf32, #tpu.memory_space<vmem>>, vector<10000x128xf32>
    tpu.vector_store %arg7[%swap3A, %swap3A_56], %mul3A_55 {strides = array<i32>} : memref<10112x128xf32, #tpu.memory_space<vmem>>, vector<10000x128xf32>,
    %broadcast_in_dim3A_58 = arith.constant 0.000000e+00 : f32
    %broadcast_in_dim3A_59 = vector.broadcast %broadcast_in_dim3A_58 : f32 to vector<112x128xf32>
    %swap3A_60 = arith.constant 10000 : index
    %swap3A_61 = arith.constant 0 : index
    %swap3A_62 = vector.load %arg7[%swap3A_60, %swap3A_61] : memref<10112x128xf32, #tpu.memory_space<vmem>>, vector<112x128xf32>
    tpu.vector_store %arg7[%swap3A_60, %swap3A_61], %broadcast_in_dim3A_59 {strides = array<i32>} : memref<10112x128xf32, #tpu.memory_space<vmem>>, vector<112x128xf32>,
    return
  }
}

module attributes {stable_mosaic.version = 14 : i64} {
  func.func @_final_body(%arg0: memref<2x10112x128xf32, #tpu.memory_space<vmem>>, %arg1: memref<10112x128xf32, #tpu.memory_space<vmem>>, %arg2: memref<10112x128xf32, #tpu.memory_space<vmem>>, %arg3: memref<1x128xf32, #tpu.memory_space<vmem>>, %arg4: memref<10000x1xi32, #tpu.memory_space<vmem>>, %arg5: memref<64x128xf32, #tpu.memory_space<vmem>>) attributes {dimension_semantics = [], scalar_prefetch = 0 : i64, scratch_operands = 0 : i64, tpu.core_type = #tpu.core_type<tc>} {
    %get3A = arith.constant 0 : index
    %get3A_0 = arith.constant 0 : index
    %get3A_1 = vector.load %arg2[%get3A, %get3A_0] : memref<10112x128xf32, #tpu.memory_space<vmem>>, vector<10112x128xf32>
    %get3A_2 = arith.constant 0 : index
    %get3A_3 = arith.constant 0 : index
    %get3A_4 = arith.constant 0 : index
    %get3A_5 = vector.load %arg0[%get3A_2, %get3A_3, %get3A_4] : memref<2x10112x128xf32, #tpu.memory_space<vmem>>, vector<1x10112x128xf32>
    %get3A_6 = vector.shape_cast %get3A_5 : vector<1x10112x128xf32> to vector<10112x128xf32>
    %get3A_7 = arith.constant 1 : index
    %get3A_8 = arith.constant 0 : index
    %get3A_9 = arith.constant 0 : index
    %get3A_10 = vector.load %arg0[%get3A_7, %get3A_8, %get3A_9] : memref<2x10112x128xf32, #tpu.memory_space<vmem>>, vector<1x10112x128xf32>
    %get3A_11 = vector.shape_cast %get3A_10 : vector<1x10112x128xf32> to vector<10112x128xf32>
    %add3A = arith.addf %get3A_6, %get3A_11 : vector<10112x128xf32>
    %get3A_12 = arith.constant 0 : index
    %get3A_13 = arith.constant 0 : index
    %get3A_14 = vector.load %arg1[%get3A_12, %get3A_13] : memref<10112x128xf32, #tpu.memory_space<vmem>>, vector<10112x128xf32>
    %sub3A = arith.subf %add3A, %get3A_14 : vector<10112x128xf32>
    %mul3A = arith.mulf %sub3A, %get3A_1 : vector<10112x128xf32>
    %get3A_15 = arith.constant 0 : index
    %get3A_16 = arith.constant 0 : index
    %get3A_17 = vector.load %arg3[%get3A_15, %get3A_16] : memref<1x128xf32, #tpu.memory_space<vmem>>, vector<1x128xf32>
    %add3A_18 = vector.broadcast %get3A_17 : vector<1x128xf32> to vector<10112x128xf32>
    %add3A_19 = arith.addf %mul3A, %add3A_18 : vector<10112x128xf32>
    %slice3A = vector.extract_strided_slice %add3A_19 {offsets = [0, 0], sizes = [10000, 128], strides = [1, 1]} : vector<10112x128xf32> to vector<10000x128xf32>
    %iota3A = tpu.iota {dimensions = array<i32: 1>} : vector<10000x64xi32>
    %get3A_20 = arith.constant 0 : index
    %get3A_21 = arith.constant 0 : index
    %get3A_22 = vector.load %arg4[%get3A_20, %get3A_21] : memref<10000x1xi32, #tpu.memory_space<vmem>>, vector<10000x1xi32>
    %eq3A = vector.broadcast %get3A_22 : vector<10000x1xi32> to vector<10000x64xi32>
    %eq3A_23 = arith.cmpi eq, %eq3A, %iota3A : vector<10000x64xi32>
    %convert_element_type3A = arith.extui %eq3A_23 : vector<10000x64xi1> to vector<10000x64xi32>
    %convert_element_type3A_24 = arith.sitofp %convert_element_type3A : vector<10000x64xi32> to vector<10000x64xf32>
    %dot_general3A = arith.constant dense<0.000000e+00> : vector<64x128xf32>
    %dot_general3A_25 = tpu.matmul %convert_element_type3A_24, %slice3A, %dot_general3A {dimension_numbers = #tpu.dot_dimension_numbers<[0], [0], [1], [1], [0, 1, 1, 1], [], []>, precision = #tpu.contract_precision<fp32>, transpose_lhs_hint = false} : vector<10000x64xf32>, vector<10000x128xf32>, vector<64x128xf32> -> vector<64x128xf32>
    %swap3A = arith.constant 0 : index
    %swap3A_26 = arith.constant 0 : index
    %swap3A_27 = vector.load %arg5[%swap3A, %swap3A_26] : memref<64x128xf32, #tpu.memory_space<vmem>>, vector<64x128xf32>
    tpu.vector_store %arg5[%swap3A, %swap3A_26], %dot_general3A_25 {strides = array<i32>} : memref<64x128xf32, #tpu.memory_space<vmem>>, vector<64x128xf32>,
    return
  }
}

</mosaic_0001>

<sc_bundles>
// kernel: kernel.10.cloned.1.call-start
scs
__scs_entry_jumppad:
0x0: {  	(pc) =	sbr.rel $0x88, $3  }
0x1: {  	(tag) =	ssettag $0x0;
	lr =	simm.s32 $0x1  }
0x2: {  	[smem:$0x3F94] =	sst lr;
	_ =	strace $0xD0000000  }
0x3: {  	_ = 	snop  }
0x4: {  	_ = 	snop  }
0x5: {  	_ = 	snop  }
0x6: {  	_ = 	snop  }
0x7: {  	_ = 	snop  }
__scs_overlays_trampoline_lowered:
0x8: {  	[smem:$0x3FA3] =	sst s0  }
0x9: {  	[smem:$0x3FA4] =	sst s1  }
0xa: {  	[smem:$0x3FA5] =	sst s2  }
0xb: {  	[smem:$0x3FA6] =	sst s3  }
0xc: {  	[smem:$0x3FA7] =	sst s4  }
0xd: {  	[smem:$0x3FA8] =	sst s5  }
0xe: {  	[smem:$0x3FA9] =	sst s6  }
0xf: {  	[smem:$0x3FAA] =	sst s7  }
0x10: {  	[smem:$0x3FAB] =	sst s8  }
0x11: {  	[smem:$0x3FAC] =	sst s9;
	s0 =	simm.s32 @!p0 $0x0  }
0x12: {  	s1 =	sld [smem:$0x3F92];
	s0 =	simm.s32 @p0 $0x1  }
0x13: {  	[smem:$0x3FAD] =	sst s0;
	s0 =	simm.s32 @!p1 $0x0  }
0x14: {  	s2 =	sld [smem:$0x3F91];
	s0 =	simm.s32 @p1 $0x1  }
0x15: {  	[smem:$0x3FAE] =	sst s0;
	s0 =	simm.s32 @!p2 $0x0  }
0x16: {  	s3 =	sld [smem:$0x3FDB];
	s0 =	simm.s32 @p2 $0x1  }
0x17: {  	s4 =	simm.s32 $0x1BF5;
	[smem:$0x3FB0] =	sst s0  }
0x18: {  	s0 =	sld [smem:$0x3F93];
	_ =	swait.ge [sflag:s4], $0x0  }
0x19: {  	s7 =	sld [smem:$0x3F94]  }
0x1a: {  	s8 =	sadd.s32 $0xFFFFE003, lr  }
0x1b: {  	s9 =	sadd.s32 $0xFFFFFEF7, lr;
	s5 =	simm.s32 $0xFFFFFFFF;
	p2 =	slt.u32 s8, $0xFFFFF086  }
0x1c: {  	p1 =	slt.u32 s9, $0xF7A;
	s5 =	simm.s32 @!p2 $0x0  }
0x1d: {  	s5 =	simm.s32 @p1 $0x1;
	p0 =	seq.s32 s7, s2  }
0x1e: {  	s7 =	smul.u32 @!p0 $0xF7A, s2;
	p2 =	seq.s32 @!p0 s5, $0x0  }
0x1f: {  	s9 =	smul.u32 $0xF7A, s1;
	s8 =	simm.s32 @!p0 $0x1BF5;
	p2 =	por !p2, p0  }
0x20: {  	[sflag:s8] =	ssyncset.s32 @!p0 $0xFFFFF086;
	s6 =	sadd.s32 @!p0 s3, s7;
	s7 =	simm.s32 @!p0 $0x108  }
0x21: {  	s3 =	sadd.s32 s3, s9;
	s6 =	sadd.s32 @!p0 $0x88, s6;
	s7 =	simm.s32 @p2 $0x1082  }
0x22: {  	[simem:s7], [sflag:s8] =	dma.local @!p0 [hbm:s6], $0xF7A  }
0x23: {  	s9 =	sor.u32 $0xD0000000, s2;
	s6 =	simm.s32 $0x108;
	_ =	swait.ge @!p0 [sflag:s8], $0x0  }
0x24: {  	s3 =	sadd.s32 $0x88, s3;
	s6 =	simm.s32 @!p1 $0x1082;
	[sflag:s4] =	ssyncset.s32 $0xFFFFF086  }
0x25: {  	[simem:s6], [sflag:s4] =	dma.local [hbm:s3], $0xF7A  }
0x26: {  	[smem:$0x3F94] =	sst s1;
	(tag) =	ssettag s2;
	_ =	strace s9  }
0x27: {  	s1 =	sld [smem:$0x3FA4]  }
0x28: {  	s2 =	sld [smem:$0x3FA5]  }
0x29: {  	s4 =	sld [smem:$0x3FA7]  }
0x2a: {  	p0 =	seq.s32 s5, $0x0;
	s5 =	sld [smem:$0x3FA8]  }
0x2b: {  	s6 =	sld [smem:$0x3FA9]  }
0x2c: {  	s7 =	sld [smem:$0x3FAA]  }
0x2d: {  	s3 =	simm.s32 $0x108;
	s8 =	sld [smem:$0x3FAB]  }
0x2e: {  	s3 =	simm.s32 @!p0 $0x1082;
	s9 =	sld [smem:$0x3FAC]  }
0x2f: {  	lr =	sadd.s32 s0, s3;
	s0 =	sld [smem:$0x3FA3]  }
0x30: {  	s3 =	sld [smem:$0x3FA6]  }
0x31: {  	[smem:$0x3FAF] =	sst s10  }
0x32: {  	s10 =	sld [smem:$0x3FAD];
	_ =	sdelay $0x3  }
0x33: {  	p0 =	seq.s32 s10, $0x1;
	s10 =	sld [smem:$0x3FAF];
	_ =	sdelay $0x3  }
0x34: {  	[smem:$0x3FAF] =	sst s10  }
0x35: {  	s10 =	sld [smem:$0x3FAE];
	_ =	sdelay $0x3  }
0x36: {  	p1 =	seq.s32 s10, $0x1;
	s10 =	sld [smem:$0x3FAF];
	_ =	sdelay $0x3  }
0x37: {  	[smem:$0x3FAF] =	sst s10  }
0x38: {  	s10 =	sld [smem:$0x3FB0]  }
0x39: {  	_ = 	snop;
	(pc) =	sbr.ind lr, $3  }
0x3a: {  	_ = 	snop  }
0x3b: {  	_ = 	snop  }
0x3c: {  	p2 =	seq.s32 s10, $0x1;
	s10 =	sld [smem:$0x3FAF]  }
0x3d: {  	_ =	shalt  }
0x3e: {  	_ =	shalt  }
0x3f: {  	_ =	shalt  }
0x40: {  	_ =	shalt  }
0x41: {  	_ =	shalt  }
0x42: {  	_ =	shalt  }
0x43: {  	_ =	shalt  }
0x44: {  	_ =	shalt  }
0x45: {  	_ =	shalt  }
0x46: {  	_ =	shalt  }
0x47: {  	_ =	shalt  }
0x48: {  	_ =	shalt  }
0x49: {  	_ =	shalt  }
0x4a: {  	_ =	shalt  }
0x4b: {  	_ =	shalt  }
0x4c: {  	_ =	shalt  }
0x4d: {  	_ =	shalt  }
0x4e: {  	_ =	shalt  }
0x4f: {  	_ =	shalt  }
0x50: {  	_ =	shalt  }
0x51: {  	_ =	shalt  }
0x52: {  	_ =	shalt  }
0x53: {  	_ =	shalt  }
0x54: {  	_ =	shalt  }
0x55: {  	_ =	shalt  }
0x56: {  	_ =	shalt  }
0x57: {  	_ =	shalt  }
0x58: {  	_ =	shalt  }
0x59: {  	_ =	shalt  }
0x5a: {  	_ =	shalt  }
0x5b: {  	_ =	shalt  }
0x5c: {  	_ =	shalt  }
0x5d: {  	_ =	shalt  }
0x5e: {  	_ =	shalt  }
0x5f: {  	_ =	shalt  }
0x60: {  	_ =	shalt  }
0x61: {  	_ =	shalt  }
0x62: {  	_ =	shalt  }
0x63: {  	_ =	shalt  }
0x64: {  	_ =	shalt  }
0x65: {  	_ =	shalt  }
0x66: {  	_ =	shalt  }
0x67: {  	_ =	shalt  }
0x68: {  	_ =	shalt  }
0x69: {  	_ =	shalt  }
0x6a: {  	_ =	shalt  }
0x6b: {  	_ =	shalt  }
0x6c: {  	_ =	shalt  }
0x6d: {  	_ =	shalt  }
0x6e: {  	_ =	shalt  }
0x6f: {  	_ =	shalt  }
0x70: {  	_ =	shalt  }
0x71: {  	_ =	shalt  }
0x72: {  	_ =	shalt  }
0x73: {  	_ =	shalt  }
0x74: {  	_ =	shalt  }
0x75: {  	_ =	shalt  }
0x76: {  	_ =	shalt  }
0x77: {  	_ =	shalt  }
0x78: {  	_ =	shalt  }
0x79: {  	_ =	shalt  }
0x7a: {  	_ =	shalt  }
0x7b: {  	_ =	shalt  }
0x7c: {  	_ =	shalt  }
0x7d: {  	_ =	shalt  }
0x7e: {  	_ =	shalt  }
0x7f: {  	_ =	shalt  }
0x80: {  	_ =	shalt  }
0x81: {  	_ =	shalt  }
0x82: {  	_ =	shalt  }
0x83: {  	_ =	shalt  }
0x84: {  	_ =	shalt  }
0x85: {  	_ =	shalt  }
0x86: {  	_ =	shalt  }
0x87: {  	_ =	shalt  }
.Lfunc_end0:
.L_simem_size_0:
called_computation_lowered:
.L_overlay_start_0:
0x88: {  	s2 =	sld [smem:$0x3FD9]  }
0x89: {  	s3 =	sld [smem:$0x3FFE];
	_ =	sdelay $0x1  }
0x8a: {  	s1 =	srdreg.scid  }
0x8b: {  	s0 =	sand.u32 $0x1, s1  }
0x8c: {  	s16 =	sshll.u32 s0, $0xA;
	s2 =	sadd.s32 s3, s2  }
0x8d: {  	s2 =	sadd.s32 s2, s16  }
0x8e: {  	[smem:$0x3FBB] =	sst s2  }
0x8f: {  	_ = 	snop  }
0x90: {  	(tm) =	ssettm $0x1  }
0x91: {  	s17 =	sld [smem:$0x3FFB];
	_ =	sdelay $0x3  }
0x92: {  	_ =	strace s17  }
0x93: {  	s2 =	sld [smem:$0x3FFC];
	_ =	sdelay $0x3  }
0x94: {  	_ =	strace s2  }
0x95: {  	s2 =	sld [smem:$0x3FFD];
	_ =	sdelay $0x3  }
0x96: {  	_ =	strace s2  }
0x97: {  	_ =	strace $0x8FFFFFFF  }
0x98: {  	s18 =	sld [smem:$0x3FDB];
	_ =	sdelay $0x1  }
0x99: {  	s19 =	simm.s32 $_scs_section_size  }
0x9a: {  	s4 =	simm.s32 $_size__tile_overlayer_lowered;
	s5 =	simm.s32 $_tile_overlayer_lowered  }
0x9b: {  	s22 =	simm.s32 $0x1BFF;
	s21 =	sshll.u32 s5, $0x1;
	s2 =	sadd.s32 s19, s18  }
0x9c: {  	s6 =	simm.s32 $0x0;
	s20 =	sshll.u32 s4, $0x1;
	s4 =	sadd.s32 s21, s2  }
0x9d: {  	[timem:s6], [sflag:s22] =	dma.local [hbm:s4], s20  }
0x9e: {  	_ =	swait.ge [sflag:s22], s20  }
0x9f: {  	s3 =	ssub.s32 $0x0, s20;
	[sflag:s22] =	ssyncset.done $0x0  }
0xa0: {  	[sflag:s22] =	ssyncadd.s32 s3;
	_ =	sdelay $0x1  }
0xa1: {  	s23 =	simm.s32 $0x1B8B  }
0xa2: {  	_ =	swait.ge [sflag:s23], $0x1  }
0xa3: {  	[sflag:s23] =	ssyncset.done $0x0  }
0xa4: {  	s25 =	simm.s32 $0x1B8E;
	s24 =	sld [smem:$0x3FFE];
	[sflag:s23] =	ssyncadd.s32 $0xFFFFFFFF  }
0xa5: {  	s26 =	simm.s32 $execute0_lowered;
	[smem:$0x3FD2] =	sst s25  }
0xa6: {  	s4 =	sshll.u32 s26, $0x1;
	_ =	strace $0x80000046;
	[dreg:$0x1] =	wrdreg $0xFFFFFFFF  }
0xa7: {  	s28 =	simm.s32 $_size_execute0_lowered;
	s2 =	sadd.s32 s2, s4;
	[dreg:$0x0] =	wrdreg $0x0  }
0xa8: {  	s4 =	sshll.u32 s28, $0x1;
	[dreg:$0x2] =	wrdreg s2  }
0xa9: {  	[dreg:$0x3] =	wrdreg s4  }
0xaa: {  	[dreg:$0x4] =	wrdreg $0xC0  }
0xab: {  	_ =	task [dreg:s6], $0x5FFFF  }
0xac: {  	[dreg:$0x1] =	wrdreg $0xFFFFFFFF  }
0xad: {  	[dreg:$0x0] =	wrdreg $0x60  }
0xae: {  	[dreg:$0x2] =	wrdreg s24  }
0xaf: {  	[dreg:$0x3] =	wrdreg $0x68000  }
0xb0: {  	[dreg:$0x4] =	wrdreg $0x9  }
0xb1: {  	_ =	task.clear_ibuf [dreg:s6], $0x5FFFF;
	_ =	strace $0x90000046  }
0xb2: {  	s29 =	simm.s32 $0x9;
	_ =	strace $0x80000048  }
0xb3: {  	_ =	swait.ge [sflag:s29], $0x1  }
0xb4: {  	[sflag:s29] =	ssyncadd.s32 $0xFFFFFFFF  }
0xb5: {  	_ =	strace $0x90000048  }
0xb6: {  	_ =	sfence  }
0xb7: {  	s30 =	sld [smem:$0x0];
	_ =	sdelay $0x2  }
0xb8: {  	s31 =	sshll.u32 s1, $0xD;
	s1 =	sshrl.u32 s1, $0x2  }
0xb9: {  	s3 =	sand.u32 $0x4000, s31;
	s1 =	sadd.s32 s1, s30  }
0xba: {  	s0 =	sor.u32 s3, s0;
	s1 =	sshll.u32 s1, $0x11  }
0xbb: {  	s0 =	sor.u32 s1, s0  }
0xbc: {  	s0 =	sadd.s32 $0x8F2B, s0  }
0xbd: {  	[sflag:s0] =	ssyncadd.remote.s32 $0x1  }
0xbe: {  	_ =	sfence.sel $0xFFFF  }
0xbf: {  	[dreg:$0x0] =	wrdreg $0xFFFFFFFF;
	(pc) =	sbr.abs _section_cstart, $3  }
0xc0: {  	[dreg:$0x1] =	wrdreg $0xFFFFFFFF  }
0xc1: {  	_ =	task.clear_ibuf [dreg:s6], $0x2FFFF;
	_ =	strace $0x9FFFFFFF  }
0xc2: {  	(tm) =	ssettm $0x7FFFFFFF  }
0xc3: {  	_ =	shalt  }
tec
execute0_lowered:
.L_overlay_start_1:
0x0: {  	(tag) =	ssettag $0x1  }
0x1: {  	s0 =	srdreg.scid;
	s6 =	rddreg [dreg:$0x0]  }
0x2: {  	s2 =	rddreg [dreg:$0x1];
	s5 =	sand.u32 $0x1, s0;
	s0 =	stileid.u32  }
0x3: {  	s3 =	simm.s32 $0x0;
	s13 =	simm.s32 $0x80;
	s7 =	smul.u32 $0x13C00, s0  }
0x4: {  	s14 =	simm.s32 $0x0;
	[smem:$0x7FF] =	sst s3;
	s8 =	smul.u32 $0x13C000, s5  }
0x5: {  	s1 =	sshll.u32 s5, $0x4;
	s5 =	ssub.s32 $0x2, s5;
	s29 =	smul.u32 $0x4F000, s0  }
0x6: {  	s31 =	sshll.u32 s0, $0x6;
	s4 =	sor.u32 s0, s1;
	s1 =	rddreg [dreg:$0x2]  }
0x7: {  	_ =	strace $0x80000047;
	s11 =	sshrl.u32 s5, $0x1;
	s4 =	smul.u32 $0x500, s4  }
0x8: {  	s10 =	sshrl.u32 s7, $0x3;
	s7 =	sadd.s32 s7, s8;
	s11 =	ssub.s32 s5, s11  }
0x9: {  	s30 =	sshrl.u32 s29, $0x2;
	s10 =	sadd.s32 s10, s6;
	s7 =	sshrl.u32 s7, $0x3  }
0xa: {  	s12 =	sadd.s32 s30, s2;
	s8 =	smax.u32 s11, $0x1;
	s11 =	sor.u32 $0x1C01, s31  }
0xb: {  	s9 =	sadd.s32 s4, s6;
	s4 =	sadd.s32 $0x34C00, s6;
	s7 =	sadd.s32 s7, s6  }
0xc: {  	s6 =	sadd.s32 $0xD400, s10;
	s10 =	simm.s32 $0x2800;
	s12 =	sshrl.u32 s12, $0x3  }
0xd: {  	s5 =	sadd.s32 $0x3400, s9;
	s7 =	sadd.s32 $0x35400, s7;
	s9 =	simm.s32 $0x1  }
.LBB2_1:
0xe: {  	[tilespmem:s3], [sflag:$0x1] =	stream.linear.gather [hbm4b:s5+s3], $0x2780, $0x38;
	[tilespmem:$0x1A400] =	vst v63  }
0xf: {  	_ =	swait.ge [sflag:s9], $0x2780  }
0x10: {  	[sflag:s9] =	ssyncset.done $0x0  }
0x11: {  	[sflag:s9] =	ssyncadd.s32 $0xFFFFD880  }
0x12: {  	[tilespmem:s10], [sflag:$0x1] =	stream.linear.gather [hbm4b:s4+s3], $0x4000, $0x38;
	[tilespmem:$0x1A400] =	vst v63  }
0x13: {  	_ =	swait.ge [sflag:s9], $0x4000  }
0x14: {  	[sflag:s9] =	ssyncset.done $0x0  }
0x15: {  	[sflag:s9] =	ssyncadd.s32 $0xFFFFC000  }
0x16: {  	[spmem:s12], [sflag:s11] =	dma.local [hbm:s6], $0x2780  }
0x17: {  	_ =	swait.ge [sflag:s9], $0x2780  }
0x18: {  	[sflag:s9] =	ssyncset.done $0x0  }
0x19: {  	[sflag:s9] =	ssyncadd.s32 $0xFFFFD880  }
0x1a: {  	s15 =	simm.s32 $0x0;
	[bflag:$0x0] =	sbarrier.arrive $0xFFFF  }
0x1b: {  	[spmem:s2] =	stream.indirect.scatter.add.f32 [tilespmem:s10], [sflag:$0x1], $0x80, s15, s13, $0xb8;
	[tilespmem:$0x1A400] =	vst v63  }
0x1c: {  	_ =	swait.ge [sflag:s9], $0x4000  }
0x1d: {  	s15 =	simm.s32 $0x200;
	[sflag:s9] =	ssyncset.done $0x0  }
.LBB2_2:
0x1e: {  	s16 =	sshra.s32 s15, $0x2;
	[sflag:s9] =	ssyncadd.s32 $0xFFFFC000;
	p0 =	sne.s32 s15, $0x9C00  }
0x1f: {  	[spmem:s2] =	stream.indirect.scatter.add.f32 [tilespmem:s10], [sflag:$0x1], $0x80, s16, s13, $0xb8;
	[tilespmem:$0x1A400] =	vst v63  }
.Ltmp0:
0x20: {  	_ = 	snop;
	(pc) =	sbr.rel @p0 .LBB2_2-.Ltmp0, $4  }
0x21: {  	_ = 	snop  }
0x22: {  	s15 =	sadd.s32 $0x200, s15  }
0x23: {  	_ =	swait.ge [sflag:s9], $0x4000  }
0x24: {  	[sflag:s9] =	ssyncset.done $0x0  }
0x25: {  	s14 =	sadd.s32 $0x1, s14  }
0x26: {  	[sflag:s9] =	ssyncadd.s32 $0xFFFFC000;
	p0 =	sne.s32 s14, s8  }
.Ltmp1:
0x27: {  	[bflag:$0x0] =	sbarrier.arrive $0xFFFF;
	(pc) =	sbr.rel @p0 .LBB2_1-.Ltmp1, $4  }
0x28: {  	[hbm:s7], [sflag:s11] =	dma.local [spmem:s12], $0x2780  }
0x29: {  	_ =	swait.ge [sflag:s9], $0x2780  }
0x2a: {  	[sflag:s9] =	ssyncset.done $0x0  }
0x2b: {  	[sflag:s9] =	ssyncadd.s32 $0xFFFFD880  }
0x2c: {  	_ =	sfence.sel $0x180000  }
0x2d: {  	[bflag:$0x0] =	sbarrier.arrive $0xFFFF  }
0x2e: {  	p0 =	sne.s32 s0, $0x0;
	_ =	strace $0x90000047  }
0x2f: {  	s0 =	sadd.s32 @!p0 $0x100000, s1;
	[bflag:$0x2] =	sbarrier.arrive $0xFFFF  }
0x30: {  	[sflag:s0] =	ssyncadd.tile.s32 @!p0 $0x1;
	_ =	shalt  }
.Lfunc_end2:
_tile_overlayer_lowered:
.L_overlay_start_2:
0x31: {  	(tag) =	ssettag $0x2  }
0x32: {  	s0 =	rddreg [dreg:$0x0];
	s2 =	stileid.u32  }
0x33: {  	s1 =	rddreg [dreg:$0x1];
	p0 =	sne.s32 s2, $0x0  }
0x34: {  	s3 =	rddreg [dreg:$0x2];
	[bflag:$0x3] =	sbarrier.arrive $0xFFFF;
	s2 =	simm.s32 @!p0 $0x1C01  }
0x35: {  	[timem:s3], [sflag:s2] =	dma.local @!p0 [hbm:s0], s1  }
0x36: {  	s0 =	simm.s32 @!p0 $0x1  }
0x37: {  	_ =	swait.ge @!p0 [sflag:s0], s1  }
0x38: {  	s1 =	ssub.s32 @!p0 $0x0, s1;
	[sflag:s0] =	ssyncset.done @!p0 $0x0  }
0x39: {  	[sflag:s0] =	ssyncadd.s32 @!p0 s1  }
0x3a: {  	[bflag:$0x3] =	sbarrier.arrive $0xFFFF  }
0x3b: {  	_ =	shalt  }

// kernel: kernel.13.cloned.1.call-start
scs
__scs_entry_jumppad:
0x0: {  	(pc) =	sbr.rel $0x88, $3  }
0x1: {  	(tag) =	ssettag $0x0;
	lr =	simm.s32 $0x1  }
0x2: {  	[smem:$0x3F94] =	sst lr;
	_ =	strace $0xD0000000  }
0x3: {  	_ = 	snop  }
0x4: {  	_ = 	snop  }
0x5: {  	_ = 	snop  }
0x6: {  	_ = 	snop  }
0x7: {  	_ = 	snop  }
__scs_overlays_trampoline_lowered:
0x8: {  	[smem:$0x3FA3] =	sst s0  }
0x9: {  	[smem:$0x3FA4] =	sst s1  }
0xa: {  	[smem:$0x3FA5] =	sst s2  }
0xb: {  	[smem:$0x3FA6] =	sst s3  }
0xc: {  	[smem:$0x3FA7] =	sst s4  }
0xd: {  	[smem:$0x3FA8] =	sst s5  }
0xe: {  	[smem:$0x3FA9] =	sst s6  }
0xf: {  	[smem:$0x3FAA] =	sst s7  }
0x10: {  	[smem:$0x3FAB] =	sst s8  }
0x11: {  	[smem:$0x3FAC] =	sst s9;
	s0 =	simm.s32 @!p0 $0x0  }
0x12: {  	s1 =	sld [smem:$0x3F92];
	s0 =	simm.s32 @p0 $0x1  }
0x13: {  	[smem:$0x3FAD] =	sst s0;
	s0 =	simm.s32 @!p1 $0x0  }
0x14: {  	s2 =	sld [smem:$0x3F91];
	s0 =	simm.s32 @p1 $0x1  }
0x15: {  	[smem:$0x3FAE] =	sst s0;
	s0 =	simm.s32 @!p2 $0x0  }
0x16: {  	s3 =	sld [smem:$0x3FDB];
	s0 =	simm.s32 @p2 $0x1  }
0x17: {  	s4 =	simm.s32 $0x1BF5;
	[smem:$0x3FB0] =	sst s0  }
0x18: {  	s0 =	sld [smem:$0x3F93];
	_ =	swait.ge [sflag:s4], $0x0  }
0x19: {  	s7 =	sld [smem:$0x3F94]  }
0x1a: {  	s8 =	sadd.s32 $0xFFFFE003, lr  }
0x1b: {  	s9 =	sadd.s32 $0xFFFFFEF7, lr;
	s5 =	simm.s32 $0xFFFFFFFF;
	p2 =	slt.u32 s8, $0xFFFFF086  }
0x1c: {  	p1 =	slt.u32 s9, $0xF7A;
	s5 =	simm.s32 @!p2 $0x0  }
0x1d: {  	s5 =	simm.s32 @p1 $0x1;
	p0 =	seq.s32 s7, s2  }
0x1e: {  	s7 =	smul.u32 @!p0 $0xF7A, s2;
	p2 =	seq.s32 @!p0 s5, $0x0  }
0x1f: {  	s9 =	smul.u32 $0xF7A, s1;
	s8 =	simm.s32 @!p0 $0x1BF5;
	p2 =	por !p2, p0  }
0x20: {  	[sflag:s8] =	ssyncset.s32 @!p0 $0xFFFFF086;
	s6 =	sadd.s32 @!p0 s3, s7;
	s7 =	simm.s32 @!p0 $0x108  }
0x21: {  	s3 =	sadd.s32 s3, s9;
	s6 =	sadd.s32 @!p0 $0x88, s6;
	s7 =	simm.s32 @p2 $0x1082  }
0x22: {  	[simem:s7], [sflag:s8] =	dma.local @!p0 [hbm:s6], $0xF7A  }
0x23: {  	s9 =	sor.u32 $0xD0000000, s2;
	s6 =	simm.s32 $0x108;
	_ =	swait.ge @!p0 [sflag:s8], $0x0  }
0x24: {  	s3 =	sadd.s32 $0x88, s3;
	s6 =	simm.s32 @!p1 $0x1082;
	[sflag:s4] =	ssyncset.s32 $0xFFFFF086  }
0x25: {  	[simem:s6], [sflag:s4] =	dma.local [hbm:s3], $0xF7A  }
0x26: {  	[smem:$0x3F94] =	sst s1;
	(tag) =	ssettag s2;
	_ =	strace s9  }
0x27: {  	s1 =	sld [smem:$0x3FA4]  }
0x28: {  	s2 =	sld [smem:$0x3FA5]  }
0x29: {  	s4 =	sld [smem:$0x3FA7]  }
0x2a: {  	p0 =	seq.s32 s5, $0x0;
	s5 =	sld [smem:$0x3FA8]  }
0x2b: {  	s6 =	sld [smem:$0x3FA9]  }
0x2c: {  	s7 =	sld [smem:$0x3FAA]  }
0x2d: {  	s3 =	simm.s32 $0x108;
	s8 =	sld [smem:$0x3FAB]  }
0x2e: {  	s3 =	simm.s32 @!p0 $0x1082;
	s9 =	sld [smem:$0x3FAC]  }
0x2f: {  	lr =	sadd.s32 s0, s3;
	s0 =	sld [smem:$0x3FA3]  }
0x30: {  	s3 =	sld [smem:$0x3FA6]  }
0x31: {  	[smem:$0x3FAF] =	sst s10  }
0x32: {  	s10 =	sld [smem:$0x3FAD];
	_ =	sdelay $0x3  }
0x33: {  	p0 =	seq.s32 s10, $0x1;
	s10 =	sld [smem:$0x3FAF];
	_ =	sdelay $0x3  }
0x34: {  	[smem:$0x3FAF] =	sst s10  }
0x35: {  	s10 =	sld [smem:$0x3FAE];
	_ =	sdelay $0x3  }
0x36: {  	p1 =	seq.s32 s10, $0x1;
	s10 =	sld [smem:$0x3FAF];
	_ =	sdelay $0x3  }
0x37: {  	[smem:$0x3FAF] =	sst s10  }
0x38: {  	s10 =	sld [smem:$0x3FB0]  }
0x39: {  	_ = 	snop;
	(pc) =	sbr.ind lr, $3  }
0x3a: {  	_ = 	snop  }
0x3b: {  	_ = 	snop  }
0x3c: {  	p2 =	seq.s32 s10, $0x1;
	s10 =	sld [smem:$0x3FAF]  }
0x3d: {  	_ =	shalt  }
0x3e: {  	_ =	shalt  }
0x3f: {  	_ =	shalt  }
0x40: {  	_ =	shalt  }
0x41: {  	_ =	shalt  }
0x42: {  	_ =	shalt  }
0x43: {  	_ =	shalt  }
0x44: {  	_ =	shalt  }
0x45: {  	_ =	shalt  }
0x46: {  	_ =	shalt  }
0x47: {  	_ =	shalt  }
0x48: {  	_ =	shalt  }
0x49: {  	_ =	shalt  }
0x4a: {  	_ =	shalt  }
0x4b: {  	_ =	shalt  }
0x4c: {  	_ =	shalt  }
0x4d: {  	_ =	shalt  }
0x4e: {  	_ =	shalt  }
0x4f: {  	_ =	shalt  }
0x50: {  	_ =	shalt  }
0x51: {  	_ =	shalt  }
0x52: {  	_ =	shalt  }
0x53: {  	_ =	shalt  }
0x54: {  	_ =	shalt  }
0x55: {  	_ =	shalt  }
0x56: {  	_ =	shalt  }
0x57: {  	_ =	shalt  }
0x58: {  	_ =	shalt  }
0x59: {  	_ =	shalt  }
0x5a: {  	_ =	shalt  }
0x5b: {  	_ =	shalt  }
0x5c: {  	_ =	shalt  }
0x5d: {  	_ =	shalt  }
0x5e: {  	_ =	shalt  }
0x5f: {  	_ =	shalt  }
0x60: {  	_ =	shalt  }
0x61: {  	_ =	shalt  }
0x62: {  	_ =	shalt  }
0x63: {  	_ =	shalt  }
0x64: {  	_ =	shalt  }
0x65: {  	_ =	shalt  }
0x66: {  	_ =	shalt  }
0x67: {  	_ =	shalt  }
0x68: {  	_ =	shalt  }
0x69: {  	_ =	shalt  }
0x6a: {  	_ =	shalt  }
0x6b: {  	_ =	shalt  }
0x6c: {  	_ =	shalt  }
0x6d: {  	_ =	shalt  }
0x6e: {  	_ =	shalt  }
0x6f: {  	_ =	shalt  }
0x70: {  	_ =	shalt  }
0x71: {  	_ =	shalt  }
0x72: {  	_ =	shalt  }
0x73: {  	_ =	shalt  }
0x74: {  	_ =	shalt  }
0x75: {  	_ =	shalt  }
0x76: {  	_ =	shalt  }
0x77: {  	_ =	shalt  }
0x78: {  	_ =	shalt  }
0x79: {  	_ =	shalt  }
0x7a: {  	_ =	shalt  }
0x7b: {  	_ =	shalt  }
0x7c: {  	_ =	shalt  }
0x7d: {  	_ =	shalt  }
0x7e: {  	_ =	shalt  }
0x7f: {  	_ =	shalt  }
0x80: {  	_ =	shalt  }
0x81: {  	_ =	shalt  }
0x82: {  	_ =	shalt  }
0x83: {  	_ =	shalt  }
0x84: {  	_ =	shalt  }
0x85: {  	_ =	shalt  }
0x86: {  	_ =	shalt  }
0x87: {  	_ =	shalt  }
.Lfunc_end0:
.L_simem_size_0:
called_computation.1_lowered:
.L_overlay_start_0:
0x88: {  	s2 =	sld [smem:$0x3FD9]  }
0x89: {  	s3 =	sld [smem:$0x3FFE];
	_ =	sdelay $0x1  }
0x8a: {  	s1 =	srdreg.scid  }
0x8b: {  	s0 =	sand.u32 $0x1, s1  }
0x8c: {  	s16 =	sshll.u32 s0, $0xA;
	s2 =	sadd.s32 s3, s2  }
0x8d: {  	s2 =	sadd.s32 s2, s16  }
0x8e: {  	[smem:$0x3FBB] =	sst s2  }
0x8f: {  	_ = 	snop  }
0x90: {  	(tm) =	ssettm $0x1  }
0x91: {  	s17 =	sld [smem:$0x3FFB];
	_ =	sdelay $0x3  }
0x92: {  	_ =	strace s17  }
0x93: {  	s2 =	sld [smem:$0x3FFC];
	_ =	sdelay $0x3  }
0x94: {  	_ =	strace s2  }
0x95: {  	s2 =	sld [smem:$0x3FFD];
	_ =	sdelay $0x3  }
0x96: {  	_ =	strace s2  }
0x97: {  	_ =	strace $0x8FFFFFFF  }
0x98: {  	s18 =	sld [smem:$0x3FDB];
	_ =	sdelay $0x1  }
0x99: {  	s19 =	simm.s32 $_scs_section_size  }
0x9a: {  	s4 =	simm.s32 $_size__tile_overlayer_lowered;
	s5 =	simm.s32 $_tile_overlayer_lowered  }
0x9b: {  	s22 =	simm.s32 $0x1BFF;
	s21 =	sshll.u32 s5, $0x1;
	s2 =	sadd.s32 s19, s18  }
0x9c: {  	s6 =	simm.s32 $0x0;
	s20 =	sshll.u32 s4, $0x1;
	s4 =	sadd.s32 s21, s2  }
0x9d: {  	[timem:s6], [sflag:s22] =	dma.local [hbm:s4], s20  }
0x9e: {  	_ =	swait.ge [sflag:s22], s20  }
0x9f: {  	s3 =	ssub.s32 $0x0, s20;
	[sflag:s22] =	ssyncset.done $0x0  }
0xa0: {  	[sflag:s22] =	ssyncadd.s32 s3;
	_ =	sdelay $0x1  }
0xa1: {  	s23 =	simm.s32 $0x1B8B  }
0xa2: {  	_ =	swait.ge [sflag:s23], $0x1  }
0xa3: {  	[sflag:s23] =	ssyncset.done $0x0  }
0xa4: {  	s25 =	simm.s32 $0x1B8E;
	s24 =	sld [smem:$0x3FFE];
	[sflag:s23] =	ssyncadd.s32 $0xFFFFFFFF  }
0xa5: {  	s26 =	simm.s32 $execute0_lowered;
	[smem:$0x3FD2] =	sst s25  }
0xa6: {  	s4 =	sshll.u32 s26, $0x1;
	_ =	strace $0x80000049;
	[dreg:$0x1] =	wrdreg $0xFFFFFFFF  }
0xa7: {  	s28 =	simm.s32 $_size_execute0_lowered;
	s2 =	sadd.s32 s2, s4;
	[dreg:$0x0] =	wrdreg $0x0  }
0xa8: {  	s4 =	sshll.u32 s28, $0x1;
	[dreg:$0x2] =	wrdreg s2  }
0xa9: {  	[dreg:$0x3] =	wrdreg s4  }
0xaa: {  	[dreg:$0x4] =	wrdreg $0xC0  }
0xab: {  	_ =	task [dreg:s6], $0x5FFFF  }
0xac: {  	[dreg:$0x1] =	wrdreg $0xFFFFFFFF  }
0xad: {  	[dreg:$0x0] =	wrdreg $0x60  }
0xae: {  	[dreg:$0x2] =	wrdreg s24  }
0xaf: {  	[dreg:$0x3] =	wrdreg $0x90000  }
0xb0: {  	[dreg:$0x4] =	wrdreg $0x9  }
0xb1: {  	_ =	task.clear_ibuf [dreg:s6], $0x5FFFF;
	_ =	strace $0x90000049  }
0xb2: {  	s29 =	simm.s32 $0x9;
	_ =	strace $0x8000004B  }
0xb3: {  	_ =	swait.ge [sflag:s29], $0x1  }
0xb4: {  	[sflag:s29] =	ssyncadd.s32 $0xFFFFFFFF  }
0xb5: {  	_ =	strace $0x9000004B  }
0xb6: {  	_ =	sfence  }
0xb7: {  	s30 =	sld [smem:$0x0];
	_ =	sdelay $0x2  }
0xb8: {  	s31 =	sshll.u32 s1, $0xD;
	s1 =	sshrl.u32 s1, $0x2  }
0xb9: {  	s3 =	sand.u32 $0x4000, s31;
	s1 =	sadd.s32 s1, s30  }
0xba: {  	s0 =	sor.u32 s3, s0;
	s1 =	sshll.u32 s1, $0x11  }
0xbb: {  	s0 =	sor.u32 s1, s0  }
0xbc: {  	s0 =	sadd.s32 $0x8F2B, s0  }
0xbd: {  	[sflag:s0] =	ssyncadd.remote.s32 $0x1  }
0xbe: {  	_ =	sfence.sel $0xFFFF  }
0xbf: {  	[dreg:$0x0] =	wrdreg $0xFFFFFFFF;
	(pc) =	sbr.abs _section_cstart, $3  }
0xc0: {  	[dreg:$0x1] =	wrdreg $0xFFFFFFFF  }
0xc1: {  	_ =	task.clear_ibuf [dreg:s6], $0x2FFFF;
	_ =	strace $0x9FFFFFFF  }
0xc2: {  	(tm) =	ssettm $0x7FFFFFFF  }
0xc3: {  	_ =	shalt  }
tec
execute0_lowered:
.L_overlay_start_1:
0x0: {  	(tag) =	ssettag $0x1  }
0x1: {  	s5 =	rddreg [dreg:$0x0]  }
0x2: {  	s2 =	rddreg [dreg:$0x1]  }
0x3: {  	s0 =	rddreg [dreg:$0x2];
	s4 =	srdreg.scid  }
0x4: {  	s1 =	stileid.u32;
	s3 =	simm.s32 $0x0;
	s14 =	simm.s32 $0x80  }
0x5: {  	s15 =	simm.s32 $0x5000;
	s16 =	simm.s32 $0x1;
	s17 =	simm.s32 $0x0  }
0x6: {  	s6 =	sand.u32 $0x1, s4;
	s7 =	smul.u32 $0x13C00, s1;
	[smem:$0x7FF] =	sst s3  }
0x7: {  	s10 =	smul.u32 $0x4F000, s1;
	s12 =	sshll.u32 s1, $0x6;
	s4 =	sshll.u32 s6, $0x4  }
0x8: {  	s8 =	smul.u32 $0x13C000, s6;
	_ =	strace $0x8000004A;
	s6 =	ssub.s32 $0x2, s6  }
0x9: {  	s12 =	sor.u32 $0x1C02, s12;
	s9 =	sor.u32 s1, s4;
	s4 =	sadd.s32 $0xD400, s5  }
0xa: {  	s31 =	sshrl.u32 s6, $0x1;
	s10 =	sshrl.u32 s10, $0x2;
	s9 =	smul.u32 $0x500, s9  }
0xb: {  	s8 =	sadd.s32 s7, s8;
	s11 =	ssub.s32 s6, s31;
	s13 =	sadd.s32 s10, s2  }
0xc: {  	s7 =	sshrl.u32 s7, $0x3;
	s10 =	simm.s32 $0x2;
	s8 =	sshrl.u32 s8, $0x3  }
0xd: {  	s7 =	sadd.s32 s4, s7;
	s13 =	sshrl.u32 s13, $0x3;
	s9 =	sadd.s32 s9, s5  }
0xe: {  	s8 =	sadd.s32 s8, s5;
	s5 =	sadd.s32 $0x84400, s9;
	s6 =	sadd.s32 $0x3400, s9  }
0xf: {  	s8 =	sadd.s32 $0x34C00, s8;
	s9 =	smax.u32 s11, $0x1;
	s11 =	simm.s32 $0x2800  }
.LBB2_1:
0x10: {  	[tilespmem:s3], [sflag:$0x2] =	stream.linear.gather [hbm4b:s5+s3], $0x2780, $0x38;
	[tilespmem:$0x1CC00] =	vst v63  }
0x11: {  	_ =	swait.ge [sflag:s10], $0x2780  }
0x12: {  	[sflag:s10] =	ssyncset.done $0x0  }
0x13: {  	[sflag:s10] =	ssyncadd.s32 $0xFFFFD880  }
0x14: {  	[tilespmem:s11], [sflag:$0x2] =	stream.linear.gather [hbm4b:s6+s3], $0x2780, $0x38;
	[tilespmem:$0x1CC00] =	vst v63  }
0x15: {  	_ =	swait.ge [sflag:s10], $0x2780  }
0x16: {  	[sflag:s10] =	ssyncset.done $0x0  }
0x17: {  	[sflag:s10] =	ssyncadd.s32 $0xFFFFD880  }
0x18: {  	[spmem:s13], [sflag:s12] =	dma.local [hbm:s7], $0x2780  }
0x19: {  	_ =	swait.ge [sflag:s10], $0x2780  }
0x1a: {  	[sflag:s10] =	ssyncset.done $0x0  }
0x1b: {  	[sflag:s10] =	ssyncadd.s32 $0xFFFFD880  }
0x1c: {  	s18 =	simm.s32 $0x0;
	[bflag:$0x0] =	sbarrier.arrive $0xFFFF  }
0x1d: {  	[tilespmem:s15], [sflag:$0x1] =	stream.indirect.gather [hbm4b:s4+s14], $0x80, s18, s14, $0xb8;
	[tilespmem:$0x1CC00] =	vst v63  }
0x1e: {  	_ =	swait.ge [sflag:s16], $0x4000  }
0x1f: {  	[sflag:s16] =	ssyncset.done $0x0  }
0x20: {  	s31 =	simm.s32 $0x2800;
	[sflag:s16] =	ssyncadd.s32 $0xFFFFC000  }
0x21: {  	[spmem:s2] =	stream.indirect.scatter.add.f32 [tilespmem:s15], [sflag:$0x2], $0x80, s31, s14, $0xb8;
	[tilespmem:$0x1CC00] =	vst v63  }
0x22: {  	_ =	swait.ge [sflag:s10], $0x4000  }
0x23: {  	s19 =	simm.s32 $0x400;
	s18 =	simm.s32 $0x200;
	[sflag:s10] =	ssyncset.done $0x0  }
.LBB2_2:
0x24: {  	s20 =	sshra.s32 s18, $0x2  }
0x25: {  	[sflag:s10] =	ssyncadd.s32 $0xFFFFC000;
	s18 =	smov.u32 s19;
	s21 =	sadd.s32 $0x200, s19  }
0x26: {  	[tilespmem:s15], [sflag:$0x1] =	stream.indirect.gather [hbm4b:s4+s14], $0x80, s20, s14, $0xb8;
	[tilespmem:$0x1CC00] =	vst v63  }
0x27: {  	p0 =	sne.s32 s19, $0x9C00;
	_ =	swait.ge [sflag:s16], $0x4000  }
.Ltmp0:
0x28: {  	[sflag:s16] =	ssyncset.done $0x0;
	(pc) =	sbr.rel @p0 .LBB2_2-.Ltmp0, $4  }
0x29: {  	s19 =	sadd.s32 $0x2800, s20;
	[sflag:s16] =	ssyncadd.s32 $0xFFFFC000  }
0x2a: {  	[spmem:s2] =	stream.indirect.scatter.add.f32 [tilespmem:s15], [sflag:$0x2], $0x80, s19, s14, $0xb8;
	[tilespmem:$0x1CC00] =	vst v63  }
0x2b: {  	_ =	swait.ge [sflag:s10], $0x4000  }
0x2c: {  	s19 =	smov.u32 s21;
	[sflag:s10] =	ssyncset.done $0x0  }
0x2d: {  	s18 =	sshra.s32 s18, $0x2;
	[sflag:s10] =	ssyncadd.s32 $0xFFFFC000  }
0x2e: {  	[tilespmem:s15], [sflag:$0x1] =	stream.indirect.gather [hbm4b:s4+s14], $0x80, s18, s14, $0xb8;
	[tilespmem:$0x1CC00] =	vst v63  }
0x2f: {  	_ =	swait.ge [sflag:s16], $0x4000  }
0x30: {  	[sflag:s16] =	ssyncset.done $0x0  }
0x31: {  	s18 =	sadd.s32 $0x2800, s18;
	[sflag:s16] =	ssyncadd.s32 $0xFFFFC000  }
0x32: {  	[spmem:s2] =	stream.indirect.scatter.add.f32 [tilespmem:s15], [sflag:$0x2], $0x80, s18, s14, $0xb8;
	[tilespmem:$0x1CC00] =	vst v63  }
0x33: {  	_ =	swait.ge [sflag:s10], $0x4000  }
0x34: {  	s17 =	sadd.s32 $0x1, s17;
	[sflag:s10] =	ssyncset.done $0x0  }
0x35: {  	p0 =	sne.s32 s17, s9;
	[sflag:s10] =	ssyncadd.s32 $0xFFFFC000  }
.Ltmp1:
0x36: {  	[bflag:$0x0] =	sbarrier.arrive $0xFFFF;
	(pc) =	sbr.rel @p0 .LBB2_1-.Ltmp1, $4  }
0x37: {  	[hbm:s8], [sflag:s12] =	dma.local [spmem:s13], $0x2780  }
0x38: {  	_ =	swait.ge [sflag:s10], $0x2780  }
0x39: {  	[sflag:s10] =	ssyncset.done $0x0  }
0x3a: {  	[sflag:s10] =	ssyncadd.s32 $0xFFFFD880  }
0x3b: {  	_ =	sfence.sel $0x180000  }
0x3c: {  	[bflag:$0x0] =	sbarrier.arrive $0xFFFF  }
0x3d: {  	p0 =	sne.s32 s1, $0x0;
	_ =	strace $0x9000004A  }
0x3e: {  	s0 =	sadd.s32 @!p0 $0x100000, s0;
	[bflag:$0x2] =	sbarrier.arrive $0xFFFF  }
0x3f: {  	[sflag:s0] =	ssyncadd.tile.s32 @!p0 $0x1;
	_ =	shalt  }
.Lfunc_end2:
_tile_overlayer_lowered:
.L_overlay_start_2:
0x40: {  	(tag) =	ssettag $0x2  }
0x41: {  	s0 =	rddreg [dreg:$0x0];
	s2 =	stileid.u32  }
0x42: {  	s1 =	rddreg [dreg:$0x1];
	p0 =	sne.s32 s2, $0x0  }
0x43: {  	s3 =	rddreg [dreg:$0x2];
	[bflag:$0x3] =	sbarrier.arrive $0xFFFF;
	s2 =	simm.s32 @!p0 $0x1C02  }
0x44: {  	[timem:s3], [sflag:s2] =	dma.local @!p0 [hbm:s0], s1  }
0x45: {  	s0 =	simm.s32 @!p0 $0x2  }
0x46: {  	_ =	swait.ge @!p0 [sflag:s0], s1  }
0x47: {  	s1 =	ssub.s32 @!p0 $0x0, s1;
	[sflag:s0] =	ssyncset.done @!p0 $0x0  }
0x48: {  	[sflag:s0] =	ssyncadd.s32 @!p0 s1  }
0x49: {  	[bflag:$0x3] =	sbarrier.arrive $0xFFFF  }
0x4a: {  	_ =	shalt  }

// kernel: kernel.16.cloned.1.call-start
scs
__scs_entry_jumppad:
0x0: {  	(pc) =	sbr.rel $0x88, $3  }
0x1: {  	(tag) =	ssettag $0x0;
	lr =	simm.s32 $0x1  }
0x2: {  	[smem:$0x3F94] =	sst lr;
	_ =	strace $0xD0000000  }
0x3: {  	_ = 	snop  }
0x4: {  	_ = 	snop  }
0x5: {  	_ = 	snop  }
0x6: {  	_ = 	snop  }
0x7: {  	_ = 	snop  }
__scs_overlays_trampoline_lowered:
0x8: {  	[smem:$0x3FA3] =	sst s0  }
0x9: {  	[smem:$0x3FA4] =	sst s1  }
0xa: {  	[smem:$0x3FA5] =	sst s2  }
0xb: {  	[smem:$0x3FA6] =	sst s3  }
0xc: {  	[smem:$0x3FA7] =	sst s4  }
0xd: {  	[smem:$0x3FA8] =	sst s5  }
0xe: {  	[smem:$0x3FA9] =	sst s6  }
0xf: {  	[smem:$0x3FAA] =	sst s7  }
0x10: {  	[smem:$0x3FAB] =	sst s8  }
0x11: {  	[smem:$0x3FAC] =	sst s9;
	s0 =	simm.s32 @!p0 $0x0  }
0x12: {  	s1 =	sld [smem:$0x3F92];
	s0 =	simm.s32 @p0 $0x1  }
0x13: {  	[smem:$0x3FAD] =	sst s0;
	s0 =	simm.s32 @!p1 $0x0  }
0x14: {  	s2 =	sld [smem:$0x3F91];
	s0 =	simm.s32 @p1 $0x1  }
0x15: {  	[smem:$0x3FAE] =	sst s0;
	s0 =	simm.s32 @!p2 $0x0  }
0x16: {  	s3 =	sld [smem:$0x3FDB];
	s0 =	simm.s32 @p2 $0x1  }
0x17: {  	s4 =	simm.s32 $0x1BF5;
	[smem:$0x3FB0] =	sst s0  }
0x18: {  	s0 =	sld [smem:$0x3F93];
	_ =	swait.ge [sflag:s4], $0x0  }
0x19: {  	s7 =	sld [smem:$0x3F94]  }
0x1a: {  	s8 =	sadd.s32 $0xFFFFE003, lr  }
0x1b: {  	s9 =	sadd.s32 $0xFFFFFEF7, lr;
	s5 =	simm.s32 $0xFFFFFFFF;
	p2 =	slt.u32 s8, $0xFFFFF086  }
0x1c: {  	p1 =	slt.u32 s9, $0xF7A;
	s5 =	simm.s32 @!p2 $0x0  }
0x1d: {  	s5 =	simm.s32 @p1 $0x1;
	p0 =	seq.s32 s7, s2  }
0x1e: {  	s7 =	smul.u32 @!p0 $0xF7A, s2;
	p2 =	seq.s32 @!p0 s5, $0x0  }
0x1f: {  	s9 =	smul.u32 $0xF7A, s1;
	s8 =	simm.s32 @!p0 $0x1BF5;
	p2 =	por !p2, p0  }
0x20: {  	[sflag:s8] =	ssyncset.s32 @!p0 $0xFFFFF086;
	s6 =	sadd.s32 @!p0 s3, s7;
	s7 =	simm.s32 @!p0 $0x108  }
0x21: {  	s3 =	sadd.s32 s3, s9;
	s6 =	sadd.s32 @!p0 $0x88, s6;
	s7 =	simm.s32 @p2 $0x1082  }
0x22: {  	[simem:s7], [sflag:s8] =	dma.local @!p0 [hbm:s6], $0xF7A  }
0x23: {  	s9 =	sor.u32 $0xD0000000, s2;
	s6 =	simm.s32 $0x108;
	_ =	swait.ge @!p0 [sflag:s8], $0x0  }
0x24: {  	s3 =	sadd.s32 $0x88, s3;
	s6 =	simm.s32 @!p1 $0x1082;
	[sflag:s4] =	ssyncset.s32 $0xFFFFF086  }
0x25: {  	[simem:s6], [sflag:s4] =	dma.local [hbm:s3], $0xF7A  }
0x26: {  	[smem:$0x3F94] =	sst s1;
	(tag) =	ssettag s2;
	_ =	strace s9  }
0x27: {  	s1 =	sld [smem:$0x3FA4]  }
0x28: {  	s2 =	sld [smem:$0x3FA5]  }
0x29: {  	s4 =	sld [smem:$0x3FA7]  }
0x2a: {  	p0 =	seq.s32 s5, $0x0;
	s5 =	sld [smem:$0x3FA8]  }
0x2b: {  	s6 =	sld [smem:$0x3FA9]  }
0x2c: {  	s7 =	sld [smem:$0x3FAA]  }
0x2d: {  	s3 =	simm.s32 $0x108;
	s8 =	sld [smem:$0x3FAB]  }
0x2e: {  	s3 =	simm.s32 @!p0 $0x1082;
	s9 =	sld [smem:$0x3FAC]  }
0x2f: {  	lr =	sadd.s32 s0, s3;
	s0 =	sld [smem:$0x3FA3]  }
0x30: {  	s3 =	sld [smem:$0x3FA6]  }
0x31: {  	[smem:$0x3FAF] =	sst s10  }
0x32: {  	s10 =	sld [smem:$0x3FAD];
	_ =	sdelay $0x3  }
0x33: {  	p0 =	seq.s32 s10, $0x1;
	s10 =	sld [smem:$0x3FAF];
	_ =	sdelay $0x3  }
0x34: {  	[smem:$0x3FAF] =	sst s10  }
0x35: {  	s10 =	sld [smem:$0x3FAE];
	_ =	sdelay $0x3  }
0x36: {  	p1 =	seq.s32 s10, $0x1;
	s10 =	sld [smem:$0x3FAF];
	_ =	sdelay $0x3  }
0x37: {  	[smem:$0x3FAF] =	sst s10  }
0x38: {  	s10 =	sld [smem:$0x3FB0]  }
0x39: {  	_ = 	snop;
	(pc) =	sbr.ind lr, $3  }
0x3a: {  	_ = 	snop  }
0x3b: {  	_ = 	snop  }
0x3c: {  	p2 =	seq.s32 s10, $0x1;
	s10 =	sld [smem:$0x3FAF]  }
0x3d: {  	_ =	shalt  }
0x3e: {  	_ =	shalt  }
0x3f: {  	_ =	shalt  }
0x40: {  	_ =	shalt  }
0x41: {  	_ =	shalt  }
0x42: {  	_ =	shalt  }
0x43: {  	_ =	shalt  }
0x44: {  	_ =	shalt  }
0x45: {  	_ =	shalt  }
0x46: {  	_ =	shalt  }
0x47: {  	_ =	shalt  }
0x48: {  	_ =	shalt  }
0x49: {  	_ =	shalt  }
0x4a: {  	_ =	shalt  }
0x4b: {  	_ =	shalt  }
0x4c: {  	_ =	shalt  }
0x4d: {  	_ =	shalt  }
0x4e: {  	_ =	shalt  }
0x4f: {  	_ =	shalt  }
0x50: {  	_ =	shalt  }
0x51: {  	_ =	shalt  }
0x52: {  	_ =	shalt  }
0x53: {  	_ =	shalt  }
0x54: {  	_ =	shalt  }
0x55: {  	_ =	shalt  }
0x56: {  	_ =	shalt  }
0x57: {  	_ =	shalt  }
0x58: {  	_ =	shalt  }
0x59: {  	_ =	shalt  }
0x5a: {  	_ =	shalt  }
0x5b: {  	_ =	shalt  }
0x5c: {  	_ =	shalt  }
0x5d: {  	_ =	shalt  }
0x5e: {  	_ =	shalt  }
0x5f: {  	_ =	shalt  }
0x60: {  	_ =	shalt  }
0x61: {  	_ =	shalt  }
0x62: {  	_ =	shalt  }
0x63: {  	_ =	shalt  }
0x64: {  	_ =	shalt  }
0x65: {  	_ =	shalt  }
0x66: {  	_ =	shalt  }
0x67: {  	_ =	shalt  }
0x68: {  	_ =	shalt  }
0x69: {  	_ =	shalt  }
0x6a: {  	_ =	shalt  }
0x6b: {  	_ =	shalt  }
0x6c: {  	_ =	shalt  }
0x6d: {  	_ =	shalt  }
0x6e: {  	_ =	shalt  }
0x6f: {  	_ =	shalt  }
0x70: {  	_ =	shalt  }
0x71: {  	_ =	shalt  }
0x72: {  	_ =	shalt  }
0x73: {  	_ =	shalt  }
0x74: {  	_ =	shalt  }
0x75: {  	_ =	shalt  }
0x76: {  	_ =	shalt  }
0x77: {  	_ =	shalt  }
0x78: {  	_ =	shalt  }
0x79: {  	_ =	shalt  }
0x7a: {  	_ =	shalt  }
0x7b: {  	_ =	shalt  }
0x7c: {  	_ =	shalt  }
0x7d: {  	_ =	shalt  }
0x7e: {  	_ =	shalt  }
0x7f: {  	_ =	shalt  }
0x80: {  	_ =	shalt  }
0x81: {  	_ =	shalt  }
0x82: {  	_ =	shalt  }
0x83: {  	_ =	shalt  }
0x84: {  	_ =	shalt  }
0x85: {  	_ =	shalt  }
0x86: {  	_ =	shalt  }
0x87: {  	_ =	shalt  }
.Lfunc_end0:
.L_simem_size_0:
called_computation.2_lowered:
.L_overlay_start_0:
0x88: {  	s2 =	sld [smem:$0x3FD9]  }
0x89: {  	s3 =	sld [smem:$0x3FFE];
	_ =	sdelay $0x1  }
0x8a: {  	s1 =	srdreg.scid  }
0x8b: {  	s0 =	sand.u32 $0x1, s1  }
0x8c: {  	s16 =	sshll.u32 s0, $0xA;
	s2 =	sadd.s32 s3, s2  }
0x8d: {  	s2 =	sadd.s32 s2, s16  }
0x8e: {  	[smem:$0x3FBB] =	sst s2  }
0x8f: {  	_ = 	snop  }
0x90: {  	(tm) =	ssettm $0x1  }
0x91: {  	s17 =	sld [smem:$0x3FFB];
	_ =	sdelay $0x3  }
0x92: {  	_ =	strace s17  }
0x93: {  	s2 =	sld [smem:$0x3FFC];
	_ =	sdelay $0x3  }
0x94: {  	_ =	strace s2  }
0x95: {  	s2 =	sld [smem:$0x3FFD];
	_ =	sdelay $0x3  }
0x96: {  	_ =	strace s2  }
0x97: {  	_ =	strace $0x8FFFFFFF  }
0x98: {  	s18 =	sld [smem:$0x3FDB];
	_ =	sdelay $0x1  }
0x99: {  	s19 =	simm.s32 $_scs_section_size  }
0x9a: {  	s4 =	simm.s32 $_size__tile_overlayer_lowered;
	s5 =	simm.s32 $_tile_overlayer_lowered  }
0x9b: {  	s22 =	simm.s32 $0x1BFF;
	s21 =	sshll.u32 s5, $0x1;
	s2 =	sadd.s32 s19, s18  }
0x9c: {  	s6 =	simm.s32 $0x0;
	s20 =	sshll.u32 s4, $0x1;
	s4 =	sadd.s32 s21, s2  }
0x9d: {  	[timem:s6], [sflag:s22] =	dma.local [hbm:s4], s20  }
0x9e: {  	_ =	swait.ge [sflag:s22], s20  }
0x9f: {  	s3 =	ssub.s32 $0x0, s20;
	[sflag:s22] =	ssyncset.done $0x0  }
0xa0: {  	[sflag:s22] =	ssyncadd.s32 s3;
	_ =	sdelay $0x1  }
0xa1: {  	s23 =	simm.s32 $0x1B8B  }
0xa2: {  	_ =	swait.ge [sflag:s23], $0x1  }
0xa3: {  	[sflag:s23] =	ssyncset.done $0x0  }
0xa4: {  	s25 =	simm.s32 $0x1B8E;
	s24 =	sld [smem:$0x3FFE];
	[sflag:s23] =	ssyncadd.s32 $0xFFFFFFFF  }
0xa5: {  	s26 =	simm.s32 $execute0_lowered;
	[smem:$0x3FD2] =	sst s25  }
0xa6: {  	s4 =	sshll.u32 s26, $0x1;
	_ =	strace $0x8000004C;
	[dreg:$0x1] =	wrdreg $0xFFFFFFFF  }
0xa7: {  	s28 =	simm.s32 $_size_execute0_lowered;
	s2 =	sadd.s32 s2, s4;
	[dreg:$0x0] =	wrdreg $0x0  }
0xa8: {  	s4 =	sshll.u32 s28, $0x1;
	[dreg:$0x2] =	wrdreg s2  }
0xa9: {  	[dreg:$0x3] =	wrdreg s4  }
0xaa: {  	[dreg:$0x4] =	wrdreg $0xC0  }
0xab: {  	_ =	task [dreg:s6], $0x5FFFF  }
0xac: {  	[dreg:$0x1] =	wrdreg $0xFFFFFFFF  }
0xad: {  	[dreg:$0x0] =	wrdreg $0x60  }
0xae: {  	[dreg:$0x2] =	wrdreg s24  }
0xaf: {  	[dreg:$0x3] =	wrdreg $0x90000  }
0xb0: {  	[dreg:$0x4] =	wrdreg $0x9  }
0xb1: {  	_ =	task.clear_ibuf [dreg:s6], $0x5FFFF;
	_ =	strace $0x9000004C  }
0xb2: {  	s29 =	simm.s32 $0x9;
	_ =	strace $0x8000004E  }
0xb3: {  	_ =	swait.ge [sflag:s29], $0x1  }
0xb4: {  	[sflag:s29] =	ssyncadd.s32 $0xFFFFFFFF  }
0xb5: {  	_ =	strace $0x9000004E  }
0xb6: {  	_ =	sfence  }
0xb7: {  	s30 =	sld [smem:$0x0];
	_ =	sdelay $0x2  }
0xb8: {  	s31 =	sshll.u32 s1, $0xD;
	s1 =	sshrl.u32 s1, $0x2  }
0xb9: {  	s3 =	sand.u32 $0x4000, s31;
	s1 =	sadd.s32 s1, s30  }
0xba: {  	s0 =	sor.u32 s3, s0;
	s1 =	sshll.u32 s1, $0x11  }
0xbb: {  	s0 =	sor.u32 s1, s0  }
0xbc: {  	s0 =	sadd.s32 $0x8F2B, s0  }
0xbd: {  	[sflag:s0] =	ssyncadd.remote.s32 $0x1  }
0xbe: {  	_ =	sfence.sel $0xFFFF  }
0xbf: {  	[dreg:$0x0] =	wrdreg $0xFFFFFFFF;
	(pc) =	sbr.abs _section_cstart, $3  }
0xc0: {  	[dreg:$0x1] =	wrdreg $0xFFFFFFFF  }
0xc1: {  	_ =	task.clear_ibuf [dreg:s6], $0x2FFFF;
	_ =	strace $0x9FFFFFFF  }
0xc2: {  	(tm) =	ssettm $0x7FFFFFFF  }
0xc3: {  	_ =	shalt  }
tec
execute0_lowered:
.L_overlay_start_1:
0x0: {  	(tag) =	ssettag $0x1  }
0x1: {  	s5 =	rddreg [dreg:$0x0]  }
0x2: {  	s2 =	rddreg [dreg:$0x1]  }
0x3: {  	s0 =	rddreg [dreg:$0x2];
	s4 =	srdreg.scid  }
0x4: {  	s1 =	stileid.u32;
	s3 =	simm.s32 $0x0;
	s14 =	simm.s32 $0x80  }
0x5: {  	s15 =	simm.s32 $0x5000;
	s16 =	simm.s32 $0x1;
	s17 =	simm.s32 $0x0  }
0x6: {  	s6 =	sand.u32 $0x1, s4;
	s7 =	smul.u32 $0x13C00, s1;
	[smem:$0x7FF] =	sst s3  }
0x7: {  	s10 =	smul.u32 $0x4F000, s1;
	s12 =	sshll.u32 s1, $0x6;
	s4 =	sshll.u32 s6, $0x4  }
0x8: {  	s8 =	smul.u32 $0x13C000, s6;
	_ =	strace $0x8000004D;
	s6 =	ssub.s32 $0x2, s6  }
0x9: {  	s12 =	sor.u32 $0x1C02, s12;
	s9 =	sor.u32 s1, s4;
	s4 =	sadd.s32 $0xD400, s5  }
0xa: {  	s31 =	sshrl.u32 s6, $0x1;
	s10 =	sshrl.u32 s10, $0x2;
	s9 =	smul.u32 $0x500, s9  }
0xb: {  	s8 =	sadd.s32 s7, s8;
	s11 =	ssub.s32 s6, s31;
	s13 =	sadd.s32 s10, s2  }
0xc: {  	s7 =	sshrl.u32 s7, $0x3;
	s10 =	simm.s32 $0x2;
	s8 =	sshrl.u32 s8, $0x3  }
0xd: {  	s7 =	sadd.s32 s4, s7;
	s13 =	sshrl.u32 s13, $0x3;
	s9 =	sadd.s32 s9, s5  }
0xe: {  	s8 =	sadd.s32 s8, s5;
	s5 =	sadd.s32 $0x84400, s9;
	s6 =	sadd.s32 $0x3400, s9  }
0xf: {  	s8 =	sadd.s32 $0x34C00, s8;
	s9 =	smax.u32 s11, $0x1;
	s11 =	simm.s32 $0x2800  }
.LBB2_1:
0x10: {  	[tilespmem:s3], [sflag:$0x2] =	stream.linear.gather [hbm4b:s5+s3], $0x2780, $0x38;
	[tilespmem:$0x1CC00] =	vst v63  }
0x11: {  	_ =	swait.ge [sflag:s10], $0x2780  }
0x12: {  	[sflag:s10] =	ssyncset.done $0x0  }
0x13: {  	[sflag:s10] =	ssyncadd.s32 $0xFFFFD880  }
0x14: {  	[tilespmem:s11], [sflag:$0x2] =	stream.linear.gather [hbm4b:s6+s3], $0x2780, $0x38;
	[tilespmem:$0x1CC00] =	vst v63  }
0x15: {  	_ =	swait.ge [sflag:s10], $0x2780  }
0x16: {  	[sflag:s10] =	ssyncset.done $0x0  }
0x17: {  	[sflag:s10] =	ssyncadd.s32 $0xFFFFD880  }
0x18: {  	[spmem:s13], [sflag:s12] =	dma.local [hbm:s7], $0x2780  }
0x19: {  	_ =	swait.ge [sflag:s10], $0x2780  }
0x1a: {  	[sflag:s10] =	ssyncset.done $0x0  }
0x1b: {  	[sflag:s10] =	ssyncadd.s32 $0xFFFFD880  }
0x1c: {  	s18 =	simm.s32 $0x0;
	[bflag:$0x0] =	sbarrier.arrive $0xFFFF  }
0x1d: {  	[tilespmem:s15], [sflag:$0x1] =	stream.indirect.gather [hbm4b:s4+s14], $0x80, s18, s14, $0xb8;
	[tilespmem:$0x1CC00] =	vst v63  }
0x1e: {  	_ =	swait.ge [sflag:s16], $0x4000  }
0x1f: {  	[sflag:s16] =	ssyncset.done $0x0  }
0x20: {  	s31 =	simm.s32 $0x2800;
	[sflag:s16] =	ssyncadd.s32 $0xFFFFC000  }
0x21: {  	[spmem:s2] =	stream.indirect.scatter.add.f32 [tilespmem:s15], [sflag:$0x2], $0x80, s31, s14, $0xb8;
	[tilespmem:$0x1CC00] =	vst v63  }
0x22: {  	_ =	swait.ge [sflag:s10], $0x4000  }
0x23: {  	s19 =	simm.s32 $0x400;
	s18 =	simm.s32 $0x200;
	[sflag:s10] =	ssyncset.done $0x0  }
.LBB2_2:
0x24: {  	s20 =	sshra.s32 s18, $0x2  }
0x25: {  	[sflag:s10] =	ssyncadd.s32 $0xFFFFC000;
	s18 =	smov.u32 s19;
	s21 =	sadd.s32 $0x200, s19  }
0x26: {  	[tilespmem:s15], [sflag:$0x1] =	stream.indirect.gather [hbm4b:s4+s14], $0x80, s20, s14, $0xb8;
	[tilespmem:$0x1CC00] =	vst v63  }
0x27: {  	p0 =	sne.s32 s19, $0x9C00;
	_ =	swait.ge [sflag:s16], $0x4000  }
.Ltmp0:
0x28: {  	[sflag:s16] =	ssyncset.done $0x0;
	(pc) =	sbr.rel @p0 .LBB2_2-.Ltmp0, $4  }
0x29: {  	s19 =	sadd.s32 $0x2800, s20;
	[sflag:s16] =	ssyncadd.s32 $0xFFFFC000  }
0x2a: {  	[spmem:s2] =	stream.indirect.scatter.add.f32 [tilespmem:s15], [sflag:$0x2], $0x80, s19, s14, $0xb8;
	[tilespmem:$0x1CC00] =	vst v63  }
0x2b: {  	_ =	swait.ge [sflag:s10], $0x4000  }
0x2c: {  	s19 =	smov.u32 s21;
	[sflag:s10] =	ssyncset.done $0x0  }
0x2d: {  	s18 =	sshra.s32 s18, $0x2;
	[sflag:s10] =	ssyncadd.s32 $0xFFFFC000  }
0x2e: {  	[tilespmem:s15], [sflag:$0x1] =	stream.indirect.gather [hbm4b:s4+s14], $0x80, s18, s14, $0xb8;
	[tilespmem:$0x1CC00] =	vst v63  }
0x2f: {  	_ =	swait.ge [sflag:s16], $0x4000  }
0x30: {  	[sflag:s16] =	ssyncset.done $0x0  }
0x31: {  	s18 =	sadd.s32 $0x2800, s18;
	[sflag:s16] =	ssyncadd.s32 $0xFFFFC000  }
0x32: {  	[spmem:s2] =	stream.indirect.scatter.add.f32 [tilespmem:s15], [sflag:$0x2], $0x80, s18, s14, $0xb8;
	[tilespmem:$0x1CC00] =	vst v63  }
0x33: {  	_ =	swait.ge [sflag:s10], $0x4000  }
0x34: {  	s17 =	sadd.s32 $0x1, s17;
	[sflag:s10] =	ssyncset.done $0x0  }
0x35: {  	p0 =	sne.s32 s17, s9;
	[sflag:s10] =	ssyncadd.s32 $0xFFFFC000  }
.Ltmp1:
0x36: {  	[bflag:$0x0] =	sbarrier.arrive $0xFFFF;
	(pc) =	sbr.rel @p0 .LBB2_1-.Ltmp1, $4  }
0x37: {  	[hbm:s8], [sflag:s12] =	dma.local [spmem:s13], $0x2780  }
0x38: {  	_ =	swait.ge [sflag:s10], $0x2780  }
0x39: {  	[sflag:s10] =	ssyncset.done $0x0  }
0x3a: {  	[sflag:s10] =	ssyncadd.s32 $0xFFFFD880  }
0x3b: {  	_ =	sfence.sel $0x180000  }
0x3c: {  	[bflag:$0x0] =	sbarrier.arrive $0xFFFF  }
0x3d: {  	p0 =	sne.s32 s1, $0x0;
	_ =	strace $0x9000004D  }
0x3e: {  	s0 =	sadd.s32 @!p0 $0x100000, s0;
	[bflag:$0x2] =	sbarrier.arrive $0xFFFF  }
0x3f: {  	[sflag:s0] =	ssyncadd.tile.s32 @!p0 $0x1;
	_ =	shalt  }
.Lfunc_end2:
_tile_overlayer_lowered:
.L_overlay_start_2:
0x40: {  	(tag) =	ssettag $0x2  }
0x41: {  	s0 =	rddreg [dreg:$0x0];
	s2 =	stileid.u32  }
0x42: {  	s1 =	rddreg [dreg:$0x1];
	p0 =	sne.s32 s2, $0x0  }
0x43: {  	s3 =	rddreg [dreg:$0x2];
	[bflag:$0x3] =	sbarrier.arrive $0xFFFF;
	s2 =	simm.s32 @!p0 $0x1C02  }
0x44: {  	[timem:s3], [sflag:s2] =	dma.local @!p0 [hbm:s0], s1  }
0x45: {  	s0 =	simm.s32 @!p0 $0x2  }
0x46: {  	_ =	swait.ge @!p0 [sflag:s0], s1  }
0x47: {  	s1 =	ssub.s32 @!p0 $0x0, s1;
	[sflag:s0] =	ssyncset.done @!p0 $0x0  }
0x48: {  	[sflag:s0] =	ssyncadd.s32 @!p0 s1  }
0x49: {  	[bflag:$0x3] =	sbarrier.arrive $0xFFFF  }
0x4a: {  	_ =	shalt  }

// kernel: kernel.19.cloned.1.call-start
scs
__scs_entry_jumppad:
0x0: {  	(pc) =	sbr.rel $0x88, $3  }
0x1: {  	(tag) =	ssettag $0x0;
	lr =	simm.s32 $0x1  }
0x2: {  	[smem:$0x3F94] =	sst lr;
	_ =	strace $0xD0000000  }
0x3: {  	_ = 	snop  }
0x4: {  	_ = 	snop  }
0x5: {  	_ = 	snop  }
0x6: {  	_ = 	snop  }
0x7: {  	_ = 	snop  }
__scs_overlays_trampoline_lowered:
0x8: {  	[smem:$0x3FA3] =	sst s0  }
0x9: {  	[smem:$0x3FA4] =	sst s1  }
0xa: {  	[smem:$0x3FA5] =	sst s2  }
0xb: {  	[smem:$0x3FA6] =	sst s3  }
0xc: {  	[smem:$0x3FA7] =	sst s4  }
0xd: {  	[smem:$0x3FA8] =	sst s5  }
0xe: {  	[smem:$0x3FA9] =	sst s6  }
0xf: {  	[smem:$0x3FAA] =	sst s7  }
0x10: {  	[smem:$0x3FAB] =	sst s8  }
0x11: {  	[smem:$0x3FAC] =	sst s9;
	s0 =	simm.s32 @!p0 $0x0  }
0x12: {  	s1 =	sld [smem:$0x3F92];
	s0 =	simm.s32 @p0 $0x1  }
0x13: {  	[smem:$0x3FAD] =	sst s0;
	s0 =	simm.s32 @!p1 $0x0  }
0x14: {  	s2 =	sld [smem:$0x3F91];
	s0 =	simm.s32 @p1 $0x1  }
0x15: {  	[smem:$0x3FAE] =	sst s0;
	s0 =	simm.s32 @!p2 $0x0  }
0x16: {  	s3 =	sld [smem:$0x3FDB];
	s0 =	simm.s32 @p2 $0x1  }
0x17: {  	s4 =	simm.s32 $0x1BF5;
	[smem:$0x3FB0] =	sst s0  }
0x18: {  	s0 =	sld [smem:$0x3F93];
	_ =	swait.ge [sflag:s4], $0x0  }
0x19: {  	s7 =	sld [smem:$0x3F94]  }
0x1a: {  	s8 =	sadd.s32 $0xFFFFE003, lr  }
0x1b: {  	s9 =	sadd.s32 $0xFFFFFEF7, lr;
	s5 =	simm.s32 $0xFFFFFFFF;
	p2 =	slt.u32 s8, $0xFFFFF086  }
0x1c: {  	p1 =	slt.u32 s9, $0xF7A;
	s5 =	simm.s32 @!p2 $0x0  }
0x1d: {  	s5 =	simm.s32 @p1 $0x1;
	p0 =	seq.s32 s7, s2  }
0x1e: {  	s7 =	smul.u32 @!p0 $0xF7A, s2;
	p2 =	seq.s32 @!p0 s5, $0x0  }
0x1f: {  	s9 =	smul.u32 $0xF7A, s1;
	s8 =	simm.s32 @!p0 $0x1BF5;
	p2 =	por !p2, p0  }
0x20: {  	[sflag:s8] =	ssyncset.s32 @!p0 $0xFFFFF086;
	s6 =	sadd.s32 @!p0 s3, s7;
	s7 =	simm.s32 @!p0 $0x108  }
0x21: {  	s3 =	sadd.s32 s3, s9;
	s6 =	sadd.s32 @!p0 $0x88, s6;
	s7 =	simm.s32 @p2 $0x1082  }
0x22: {  	[simem:s7], [sflag:s8] =	dma.local @!p0 [hbm:s6], $0xF7A  }
0x23: {  	s9 =	sor.u32 $0xD0000000, s2;
	s6 =	simm.s32 $0x108;
	_ =	swait.ge @!p0 [sflag:s8], $0x0  }
0x24: {  	s3 =	sadd.s32 $0x88, s3;
	s6 =	simm.s32 @!p1 $0x1082;
	[sflag:s4] =	ssyncset.s32 $0xFFFFF086  }
0x25: {  	[simem:s6], [sflag:s4] =	dma.local [hbm:s3], $0xF7A  }
0x26: {  	[smem:$0x3F94] =	sst s1;
	(tag) =	ssettag s2;
	_ =	strace s9  }
0x27: {  	s1 =	sld [smem:$0x3FA4]  }
0x28: {  	s2 =	sld [smem:$0x3FA5]  }
0x29: {  	s4 =	sld [smem:$0x3FA7]  }
0x2a: {  	p0 =	seq.s32 s5, $0x0;
	s5 =	sld [smem:$0x3FA8]  }
0x2b: {  	s6 =	sld [smem:$0x3FA9]  }
0x2c: {  	s7 =	sld [smem:$0x3FAA]  }
0x2d: {  	s3 =	simm.s32 $0x108;
	s8 =	sld [smem:$0x3FAB]  }
0x2e: {  	s3 =	simm.s32 @!p0 $0x1082;
	s9 =	sld [smem:$0x3FAC]  }
0x2f: {  	lr =	sadd.s32 s0, s3;
	s0 =	sld [smem:$0x3FA3]  }
0x30: {  	s3 =	sld [smem:$0x3FA6]  }
0x31: {  	[smem:$0x3FAF] =	sst s10  }
0x32: {  	s10 =	sld [smem:$0x3FAD];
	_ =	sdelay $0x3  }
0x33: {  	p0 =	seq.s32 s10, $0x1;
	s10 =	sld [smem:$0x3FAF];
	_ =	sdelay $0x3  }
0x34: {  	[smem:$0x3FAF] =	sst s10  }
0x35: {  	s10 =	sld [smem:$0x3FAE];
	_ =	sdelay $0x3  }
0x36: {  	p1 =	seq.s32 s10, $0x1;
	s10 =	sld [smem:$0x3FAF];
	_ =	sdelay $0x3  }
0x37: {  	[smem:$0x3FAF] =	sst s10  }
0x38: {  	s10 =	sld [smem:$0x3FB0]  }
0x39: {  	_ = 	snop;
	(pc) =	sbr.ind lr, $3  }
0x3a: {  	_ = 	snop  }
0x3b: {  	_ = 	snop  }
0x3c: {  	p2 =	seq.s32 s10, $0x1;
	s10 =	sld [smem:$0x3FAF]  }
0x3d: {  	_ =	shalt  }
0x3e: {  	_ =	shalt  }
0x3f: {  	_ =	shalt  }
0x40: {  	_ =	shalt  }
0x41: {  	_ =	shalt  }
0x42: {  	_ =	shalt  }
0x43: {  	_ =	shalt  }
0x44: {  	_ =	shalt  }
0x45: {  	_ =	shalt  }
0x46: {  	_ =	shalt  }
0x47: {  	_ =	shalt  }
0x48: {  	_ =	shalt  }
0x49: {  	_ =	shalt  }
0x4a: {  	_ =	shalt  }
0x4b: {  	_ =	shalt  }
0x4c: {  	_ =	shalt  }
0x4d: {  	_ =	shalt  }
0x4e: {  	_ =	shalt  }
0x4f: {  	_ =	shalt  }
0x50: {  	_ =	shalt  }
0x51: {  	_ =	shalt  }
0x52: {  	_ =	shalt  }
0x53: {  	_ =	shalt  }
0x54: {  	_ =	shalt  }
0x55: {  	_ =	shalt  }
0x56: {  	_ =	shalt  }
0x57: {  	_ =	shalt  }
0x58: {  	_ =	shalt  }
0x59: {  	_ =	shalt  }
0x5a: {  	_ =	shalt  }
0x5b: {  	_ =	shalt  }
0x5c: {  	_ =	shalt  }
0x5d: {  	_ =	shalt  }
0x5e: {  	_ =	shalt  }
0x5f: {  	_ =	shalt  }
0x60: {  	_ =	shalt  }
0x61: {  	_ =	shalt  }
0x62: {  	_ =	shalt  }
0x63: {  	_ =	shalt  }
0x64: {  	_ =	shalt  }
0x65: {  	_ =	shalt  }
0x66: {  	_ =	shalt  }
0x67: {  	_ =	shalt  }
0x68: {  	_ =	shalt  }
0x69: {  	_ =	shalt  }
0x6a: {  	_ =	shalt  }
0x6b: {  	_ =	shalt  }
0x6c: {  	_ =	shalt  }
0x6d: {  	_ =	shalt  }
0x6e: {  	_ =	shalt  }
0x6f: {  	_ =	shalt  }
0x70: {  	_ =	shalt  }
0x71: {  	_ =	shalt  }
0x72: {  	_ =	shalt  }
0x73: {  	_ =	shalt  }
0x74: {  	_ =	shalt  }
0x75: {  	_ =	shalt  }
0x76: {  	_ =	shalt  }
0x77: {  	_ =	shalt  }
0x78: {  	_ =	shalt  }
0x79: {  	_ =	shalt  }
0x7a: {  	_ =	shalt  }
0x7b: {  	_ =	shalt  }
0x7c: {  	_ =	shalt  }
0x7d: {  	_ =	shalt  }
0x7e: {  	_ =	shalt  }
0x7f: {  	_ =	shalt  }
0x80: {  	_ =	shalt  }
0x81: {  	_ =	shalt  }
0x82: {  	_ =	shalt  }
0x83: {  	_ =	shalt  }
0x84: {  	_ =	shalt  }
0x85: {  	_ =	shalt  }
0x86: {  	_ =	shalt  }
0x87: {  	_ =	shalt  }
.Lfunc_end0:
.L_simem_size_0:
called_computation.3_lowered:
.L_overlay_start_0:
0x88: {  	s2 =	sld [smem:$0x3FD9]  }
0x89: {  	s3 =	sld [smem:$0x3FFE];
	_ =	sdelay $0x1  }
0x8a: {  	s1 =	srdreg.scid  }
0x8b: {  	s0 =	sand.u32 $0x1, s1  }
0x8c: {  	s16 =	sshll.u32 s0, $0xA;
	s2 =	sadd.s32 s3, s2  }
0x8d: {  	s2 =	sadd.s32 s2, s16  }
0x8e: {  	[smem:$0x3FBB] =	sst s2  }
0x8f: {  	_ = 	snop  }
0x90: {  	(tm) =	ssettm $0x1  }
0x91: {  	s17 =	sld [smem:$0x3FFB];
	_ =	sdelay $0x3  }
0x92: {  	_ =	strace s17  }
0x93: {  	s2 =	sld [smem:$0x3FFC];
	_ =	sdelay $0x3  }
0x94: {  	_ =	strace s2  }
0x95: {  	s2 =	sld [smem:$0x3FFD];
	_ =	sdelay $0x3  }
0x96: {  	_ =	strace s2  }
0x97: {  	_ =	strace $0x8FFFFFFF  }
0x98: {  	s18 =	sld [smem:$0x3FDB];
	_ =	sdelay $0x1  }
0x99: {  	s19 =	simm.s32 $_scs_section_size  }
0x9a: {  	s4 =	simm.s32 $_size__tile_overlayer_lowered;
	s5 =	simm.s32 $_tile_overlayer_lowered  }
0x9b: {  	s22 =	simm.s32 $0x1BFF;
	s21 =	sshll.u32 s5, $0x1;
	s2 =	sadd.s32 s19, s18  }
0x9c: {  	s6 =	simm.s32 $0x0;
	s20 =	sshll.u32 s4, $0x1;
	s4 =	sadd.s32 s21, s2  }
0x9d: {  	[timem:s6], [sflag:s22] =	dma.local [hbm:s4], s20  }
0x9e: {  	_ =	swait.ge [sflag:s22], s20  }
0x9f: {  	s3 =	ssub.s32 $0x0, s20;
	[sflag:s22] =	ssyncset.done $0x0  }
0xa0: {  	[sflag:s22] =	ssyncadd.s32 s3;
	_ =	sdelay $0x1  }
0xa1: {  	s23 =	simm.s32 $0x1B8B  }
0xa2: {  	_ =	swait.ge [sflag:s23], $0x1  }
0xa3: {  	[sflag:s23] =	ssyncset.done $0x0  }
0xa4: {  	s25 =	simm.s32 $0x1B8E;
	s24 =	sld [smem:$0x3FFE];
	[sflag:s23] =	ssyncadd.s32 $0xFFFFFFFF  }
0xa5: {  	s26 =	simm.s32 $execute0_lowered;
	[smem:$0x3FD2] =	sst s25  }
0xa6: {  	s4 =	sshll.u32 s26, $0x1;
	_ =	strace $0x8000004F;
	[dreg:$0x1] =	wrdreg $0xFFFFFFFF  }
0xa7: {  	s28 =	simm.s32 $_size_execute0_lowered;
	s2 =	sadd.s32 s2, s4;
	[dreg:$0x0] =	wrdreg $0x0  }
0xa8: {  	s4 =	sshll.u32 s28, $0x1;
	[dreg:$0x2] =	wrdreg s2  }
0xa9: {  	[dreg:$0x3] =	wrdreg s4  }
0xaa: {  	[dreg:$0x4] =	wrdreg $0xC0  }
0xab: {  	_ =	task [dreg:s6], $0x5FFFF  }
0xac: {  	[dreg:$0x1] =	wrdreg $0xFFFFFFFF  }
0xad: {  	[dreg:$0x0] =	wrdreg $0x60  }
0xae: {  	[dreg:$0x2] =	wrdreg s24  }
0xaf: {  	[dreg:$0x3] =	wrdreg $0x90000  }
0xb0: {  	[dreg:$0x4] =	wrdreg $0x9  }
0xb1: {  	_ =	task.clear_ibuf [dreg:s6], $0x5FFFF;
	_ =	strace $0x9000004F  }
0xb2: {  	s29 =	simm.s32 $0x9;
	_ =	strace $0x80000051  }
0xb3: {  	_ =	swait.ge [sflag:s29], $0x1  }
0xb4: {  	[sflag:s29] =	ssyncadd.s32 $0xFFFFFFFF  }
0xb5: {  	_ =	strace $0x90000051  }
0xb6: {  	_ =	sfence  }
0xb7: {  	s30 =	sld [smem:$0x0];
	_ =	sdelay $0x2  }
0xb8: {  	s31 =	sshll.u32 s1, $0xD;
	s1 =	sshrl.u32 s1, $0x2  }
0xb9: {  	s3 =	sand.u32 $0x4000, s31;
	s1 =	sadd.s32 s1, s30  }
0xba: {  	s0 =	sor.u32 s3, s0;
	s1 =	sshll.u32 s1, $0x11  }
0xbb: {  	s0 =	sor.u32 s1, s0  }
0xbc: {  	s0 =	sadd.s32 $0x8F2B, s0  }
0xbd: {  	[sflag:s0] =	ssyncadd.remote.s32 $0x1  }
0xbe: {  	_ =	sfence.sel $0xFFFF  }
0xbf: {  	[dreg:$0x0] =	wrdreg $0xFFFFFFFF;
	(pc) =	sbr.abs _section_cstart, $3  }
0xc0: {  	[dreg:$0x1] =	wrdreg $0xFFFFFFFF  }
0xc1: {  	_ =	task.clear_ibuf [dreg:s6], $0x2FFFF;
	_ =	strace $0x9FFFFFFF  }
0xc2: {  	(tm) =	ssettm $0x7FFFFFFF  }
0xc3: {  	_ =	shalt  }
tec
execute0_lowered:
.L_overlay_start_1:
0x0: {  	(tag) =	ssettag $0x1  }
0x1: {  	s5 =	rddreg [dreg:$0x0]  }
0x2: {  	s2 =	rddreg [dreg:$0x1]  }
0x3: {  	s0 =	rddreg [dreg:$0x2];
	s4 =	srdreg.scid  }
0x4: {  	s1 =	stileid.u32;
	s3 =	simm.s32 $0x0;
	s14 =	simm.s32 $0x80  }
0x5: {  	s15 =	simm.s32 $0x5000;
	s16 =	simm.s32 $0x1;
	s17 =	simm.s32 $0x0  }
0x6: {  	s6 =	sand.u32 $0x1, s4;
	s7 =	smul.u32 $0x13C00, s1;
	[smem:$0x7FF] =	sst s3  }
0x7: {  	s10 =	smul.u32 $0x4F000, s1;
	s12 =	sshll.u32 s1, $0x6;
	s4 =	sshll.u32 s6, $0x4  }
0x8: {  	s8 =	smul.u32 $0x13C000, s6;
	_ =	strace $0x80000050;
	s6 =	ssub.s32 $0x2, s6  }
0x9: {  	s12 =	sor.u32 $0x1C02, s12;
	s9 =	sor.u32 s1, s4;
	s4 =	sadd.s32 $0xD400, s5  }
0xa: {  	s31 =	sshrl.u32 s6, $0x1;
	s10 =	sshrl.u32 s10, $0x2;
	s9 =	smul.u32 $0x500, s9  }
0xb: {  	s8 =	sadd.s32 s7, s8;
	s11 =	ssub.s32 s6, s31;
	s13 =	sadd.s32 s10, s2  }
0xc: {  	s7 =	sshrl.u32 s7, $0x3;
	s10 =	simm.s32 $0x2;
	s8 =	sshrl.u32 s8, $0x3  }
0xd: {  	s7 =	sadd.s32 s4, s7;
	s13 =	sshrl.u32 s13, $0x3;
	s9 =	sadd.s32 s9, s5  }
0xe: {  	s8 =	sadd.s32 s8, s5;
	s5 =	sadd.s32 $0x84400, s9;
	s6 =	sadd.s32 $0x3400, s9  }
0xf: {  	s8 =	sadd.s32 $0x34C00, s8;
	s9 =	smax.u32 s11, $0x1;
	s11 =	simm.s32 $0x2800  }
.LBB2_1:
0x10: {  	[tilespmem:s3], [sflag:$0x2] =	stream.linear.gather [hbm4b:s5+s3], $0x2780, $0x38;
	[tilespmem:$0x1CC00] =	vst v63  }
0x11: {  	_ =	swait.ge [sflag:s10], $0x2780  }
0x12: {  	[sflag:s10] =	ssyncset.done $0x0  }
0x13: {  	[sflag:s10] =	ssyncadd.s32 $0xFFFFD880  }
0x14: {  	[tilespmem:s11], [sflag:$0x2] =	stream.linear.gather [hbm4b:s6+s3], $0x2780, $0x38;
	[tilespmem:$0x1CC00] =	vst v63  }
0x15: {  	_ =	swait.ge [sflag:s10], $0x2780  }
0x16: {  	[sflag:s10] =	ssyncset.done $0x0  }
0x17: {  	[sflag:s10] =	ssyncadd.s32 $0xFFFFD880  }
0x18: {  	[spmem:s13], [sflag:s12] =	dma.local [hbm:s7], $0x2780  }
0x19: {  	_ =	swait.ge [sflag:s10], $0x2780  }
0x1a: {  	[sflag:s10] =	ssyncset.done $0x0  }
0x1b: {  	[sflag:s10] =	ssyncadd.s32 $0xFFFFD880  }
0x1c: {  	s18 =	simm.s32 $0x0;
	[bflag:$0x0] =	sbarrier.arrive $0xFFFF  }
0x1d: {  	[tilespmem:s15], [sflag:$0x1] =	stream.indirect.gather [hbm4b:s4+s14], $0x80, s18, s14, $0xb8;
	[tilespmem:$0x1CC00] =	vst v63  }
0x1e: {  	_ =	swait.ge [sflag:s16], $0x4000  }
0x1f: {  	[sflag:s16] =	ssyncset.done $0x0  }
0x20: {  	s31 =	simm.s32 $0x2800;
	[sflag:s16] =	ssyncadd.s32 $0xFFFFC000  }
0x21: {  	[spmem:s2] =	stream.indirect.scatter.add.f32 [tilespmem:s15], [sflag:$0x2], $0x80, s31, s14, $0xb8;
	[tilespmem:$0x1CC00] =	vst v63  }
0x22: {  	_ =	swait.ge [sflag:s10], $0x4000  }
0x23: {  	s19 =	simm.s32 $0x400;
	s18 =	simm.s32 $0x200;
	[sflag:s10] =	ssyncset.done $0x0  }
.LBB2_2:
0x24: {  	s20 =	sshra.s32 s18, $0x2  }
0x25: {  	[sflag:s10] =	ssyncadd.s32 $0xFFFFC000;
	s18 =	smov.u32 s19;
	s21 =	sadd.s32 $0x200, s19  }
0x26: {  	[tilespmem:s15], [sflag:$0x1] =	stream.indirect.gather [hbm4b:s4+s14], $0x80, s20, s14, $0xb8;
	[tilespmem:$0x1CC00] =	vst v63  }
0x27: {  	p0 =	sne.s32 s19, $0x9C00;
	_ =	swait.ge [sflag:s16], $0x4000  }
.Ltmp0:
0x28: {  	[sflag:s16] =	ssyncset.done $0x0;
	(pc) =	sbr.rel @p0 .LBB2_2-.Ltmp0, $4  }
0x29: {  	s19 =	sadd.s32 $0x2800, s20;
	[sflag:s16] =	ssyncadd.s32 $0xFFFFC000  }
0x2a: {  	[spmem:s2] =	stream.indirect.scatter.add.f32 [tilespmem:s15], [sflag:$0x2], $0x80, s19, s14, $0xb8;
	[tilespmem:$0x1CC00] =	vst v63  }
0x2b: {  	_ =	swait.ge [sflag:s10], $0x4000  }
0x2c: {  	s19 =	smov.u32 s21;
	[sflag:s10] =	ssyncset.done $0x0  }
0x2d: {  	s18 =	sshra.s32 s18, $0x2;
	[sflag:s10] =	ssyncadd.s32 $0xFFFFC000  }
0x2e: {  	[tilespmem:s15], [sflag:$0x1] =	stream.indirect.gather [hbm4b:s4+s14], $0x80, s18, s14, $0xb8;
	[tilespmem:$0x1CC00] =	vst v63  }
0x2f: {  	_ =	swait.ge [sflag:s16], $0x4000  }
0x30: {  	[sflag:s16] =	ssyncset.done $0x0  }
0x31: {  	s18 =	sadd.s32 $0x2800, s18;
	[sflag:s16] =	ssyncadd.s32 $0xFFFFC000  }
0x32: {  	[spmem:s2] =	stream.indirect.scatter.add.f32 [tilespmem:s15], [sflag:$0x2], $0x80, s18, s14, $0xb8;
	[tilespmem:$0x1CC00] =	vst v63  }
0x33: {  	_ =	swait.ge [sflag:s10], $0x4000  }
0x34: {  	s17 =	sadd.s32 $0x1, s17;
	[sflag:s10] =	ssyncset.done $0x0  }
0x35: {  	p0 =	sne.s32 s17, s9;
	[sflag:s10] =	ssyncadd.s32 $0xFFFFC000  }
.Ltmp1:
0x36: {  	[bflag:$0x0] =	sbarrier.arrive $0xFFFF;
	(pc) =	sbr.rel @p0 .LBB2_1-.Ltmp1, $4  }
0x37: {  	[hbm:s8], [sflag:s12] =	dma.local [spmem:s13], $0x2780  }
0x38: {  	_ =	swait.ge [sflag:s10], $0x2780  }
0x39: {  	[sflag:s10] =	ssyncset.done $0x0  }
0x3a: {  	[sflag:s10] =	ssyncadd.s32 $0xFFFFD880  }
0x3b: {  	_ =	sfence.sel $0x180000  }
0x3c: {  	[bflag:$0x0] =	sbarrier.arrive $0xFFFF  }
0x3d: {  	p0 =	sne.s32 s1, $0x0;
	_ =	strace $0x90000050  }
0x3e: {  	s0 =	sadd.s32 @!p0 $0x100000, s0;
	[bflag:$0x2] =	sbarrier.arrive $0xFFFF  }
0x3f: {  	[sflag:s0] =	ssyncadd.tile.s32 @!p0 $0x1;
	_ =	shalt  }
.Lfunc_end2:
_tile_overlayer_lowered:
.L_overlay_start_2:
0x40: {  	(tag) =	ssettag $0x2  }
0x41: {  	s0 =	rddreg [dreg:$0x0];
	s2 =	stileid.u32  }
0x42: {  	s1 =	rddreg [dreg:$0x1];
	p0 =	sne.s32 s2, $0x0  }
0x43: {  	s3 =	rddreg [dreg:$0x2];
	[bflag:$0x3] =	sbarrier.arrive $0xFFFF;
	s2 =	simm.s32 @!p0 $0x1C02  }
0x44: {  	[timem:s3], [sflag:s2] =	dma.local @!p0 [hbm:s0], s1  }
0x45: {  	s0 =	simm.s32 @!p0 $0x2  }
0x46: {  	_ =	swait.ge @!p0 [sflag:s0], s1  }
0x47: {  	s1 =	ssub.s32 @!p0 $0x0, s1;
	[sflag:s0] =	ssyncset.done @!p0 $0x0  }
0x48: {  	[sflag:s0] =	ssyncadd.s32 @!p0 s1  }
0x49: {  	[bflag:$0x3] =	sbarrier.arrive $0xFFFF  }
0x4a: {  	_ =	shalt  }

</sc_bundles>
